<compile_context>
chip_gen: v7x
topology: tpu7x:2x2x1
jax: 0.10.2.dev20260603
libtpu: 0.0.44.dev20260713+nightly
codegen_flags: <defaults>
</compile_context>

<pallas_src>
import functools

import jax
import jax.numpy as jnp
from jax import lax
from jax.experimental import pallas as pl
from jax.experimental.pallas import tpu as pltpu
from jax.experimental.pallas import tpu_sc as plsc

N = 1600000
D = 32
NC = 2
NS = 16
L = 16
NW = NC * NS
PER_W = N // NW


def _row_block_sum(ref, nrows, dtype):
    lo = jnp.zeros((L,), dtype)
    hi = jnp.zeros((L,), dtype)
    for r in range(nrows):
        lo = lo + ref[r, pl.ds(0, L)]
        hi = hi + ref[r, pl.ds(L, L)]
    return lo, hi


def _flat_row_block_sum(ref, nrows, dtype):
    lo = jnp.zeros((L,), dtype)
    hi = jnp.zeros((L,), dtype)
    for r in range(nrows):
        lo = lo + ref[pl.ds(r * D, L)]
        hi = hi + ref[pl.ds(r * D + L, L)]
    return lo, hi


def _lane_major_reduce(ref, dtype):
    stride_idx = lax.iota(jnp.int32, L) * L
    lo = jnp.zeros((L,), dtype)
    hi = jnp.zeros((L,), dtype)
    for k in range(L):
        lo = lo + plsc.load_gather(ref, [stride_idx + k])
        hi = hi + plsc.load_gather(ref, [stride_idx + (D // 2 * L + k)])
    return lo, hi


_OUT_TYPE = [
    jax.ShapeDtypeStruct((NC, D), jnp.float32),
    jax.ShapeDtypeStruct((NC, D), jnp.int32),
]
_SCRATCH = [
    pltpu.VMEM((PER_W,), jnp.float32),
    pltpu.VMEM((PER_W,), jnp.int32),
    pltpu.VMEM((L * D,), jnp.float32),
    pltpu.VMEM((L * D,), jnp.int32),
    pltpu.VMEM((D,), jnp.float32),
    pltpu.VMEM((D,), jnp.int32),
    pltpu.VMEM_SHARED((NS * D,), jnp.float32),
    pltpu.VMEM_SHARED((NS * D,), jnp.int32),
    pltpu.VMEM((NS * D,), jnp.float32),
    pltpu.VMEM((NS * D,), jnp.int32),
]


def _body(loss_hbm, ids_hbm, out_f, out_c,
                         loss_v, ids_v, acc_f, acc_c, part_f, part_c,
                         sh_f, sh_c, g_f, g_c):
    c = lax.axis_index("c")
    s = lax.axis_index("s")
    wid = s * NC + c
    base = wid * PER_W

    pltpu.sync_copy(loss_hbm.at[pl.ds(base, PER_W)], loss_v)
    pltpu.sync_copy(ids_hbm.at[pl.ds(base, PER_W)], ids_v)

    zf = jnp.zeros((L,), jnp.float32)
    zi = jnp.zeros((L,), jnp.int32)
    for r in range(L * D // L):
        acc_f[pl.ds(r * L, L)] = zf
        acc_c[pl.ds(r * L, L)] = zi

    lane = lax.iota(jnp.int32, L)
    ones = jnp.ones((L,), jnp.int32)

    @plsc.parallel_loop(0, PER_W, step=L, unroll=8)
    def _loop(off):
        idx = ids_v[pl.ds(off, L)] * L + lane
        ls = loss_v[pl.ds(off, L)]
        plsc.addupdate_scatter(acc_f, [idx], ls)
        plsc.addupdate_scatter(acc_c, [idx], ones)

    f_lo, f_hi = _lane_major_reduce(acc_f, jnp.float32)
    c_lo, c_hi = _lane_major_reduce(acc_c, jnp.int32)
    part_f[pl.ds(0, L)] = f_lo
    part_f[pl.ds(L, L)] = f_hi
    part_c[pl.ds(0, L)] = c_lo
    part_c[pl.ds(L, L)] = c_hi

    pltpu.sync_copy(part_f, sh_f.at[pl.ds(s * D, D)])
    pltpu.sync_copy(part_c, sh_c.at[pl.ds(s * D, D)])
    plsc.subcore_barrier()

    @pl.when(s == 0)
    def _():
        pltpu.sync_copy(sh_f, g_f)
        pltpu.sync_copy(sh_c, g_c)
        t_lo, t_hi = _flat_row_block_sum(g_f, NS, jnp.float32)
        u_lo, u_hi = _flat_row_block_sum(g_c, NS, jnp.int32)
        part_f[pl.ds(0, L)] = t_lo
        part_f[pl.ds(L, L)] = t_hi
        part_c[pl.ds(0, L)] = u_lo
        part_c[pl.ds(L, L)] = u_hi
        pltpu.sync_copy(part_f, out_f.at[c])
        pltpu.sync_copy(part_c, out_c.at[c])


_per_domain_partials = pl.kernel(
    _body,
    mesh=plsc.VectorSubcoreMesh(core_axis_name="c", subcore_axis_name="s"),
    compiler_params=pltpu.CompilerParams(needs_layout_passes=False),
    out_type=_OUT_TYPE,
    scratch_types=_SCRATCH,
)


@jax.jit
def kernel(loss, key_ids, losses_tensor, counts_tensor):
    pf, pc = _per_domain_partials(loss, key_ids)
    losses_new = losses_tensor + pf[0] + pf[1]
    counts_new = counts_tensor + pc[0] + pc[1]
    max_domain_id = jnp.int32(D - 1)
    return losses_new, counts_new, max_domain_id

# --- scband reference (transcript-rebuilt; emitter-appended) ---
"""Pipeline reference for scband-per-domain-loss-54116587929719 (READ-ONLY COPY).

The authoritative reference and input builder live on the scoring server;
editing this copy changes nothing except your own understanding.
"""

import jax, jax.numpy as jnp
import numpy as np

N = 1600000
D = 32  # initial_num_domains

def setup_inputs(seed: int = 0) -> dict:
    key = jax.random.key(seed)
    k1, k2 = jax.random.split(key)
    loss = jax.random.normal(k1, (N,), dtype=jnp.float32)
    key_ids = jax.random.randint(k2, (N,), 0, D, dtype=jnp.int32)
    # module state buffers (zeros at init)
    losses_tensor = jnp.zeros((D,), dtype=jnp.float32)
    counts_tensor = jnp.zeros((D,), dtype=jnp.int32)
    return {"loss": loss, "key_ids": key_ids, "losses_tensor": losses_tensor, "counts_tensor": counts_tensor}

def reference(loss, key_ids, losses_tensor, counts_tensor):
    # Faithful translation of PerDomainLoss.forward with key_ids provided.
    l = loss.reshape(-1).astype(jnp.float32)
    ids = key_ids.reshape(-1)
    batch_max_domain_id = jnp.max(ids)
    # num_domains stays at initial size since ids < D (no dynamic growth under jit)
    losses_new = losses_tensor.at[ids].add(l)
    counts_new = counts_tensor.at[ids].add(jnp.ones_like(ids, dtype=counts_tensor.dtype))
    max_domain_id = jnp.maximum(batch_max_domain_id.astype(jnp.int32), jnp.int32(D - 1))
    return (losses_new, counts_new, max_domain_id)

if __name__ == "__main__":
    import jax
    _d = setup_inputs()
    print(jax.jit(kernel)(*tuple(_d.values())))

</pallas_src>

<mosaic_0001>
#map = affine_map<(d0, d1) -> (0)>
#map1 = affine_map<(d0, d1) -> (0, 0)>
module attributes {stable_mosaic.version = 14 : i64} {
  func.func @_body(%arg0: i32, %arg1: i32, %arg2: memref<1600000xf32, #tpu.memory_space<hbm>>, %arg3: memref<1600000xi32, #tpu.memory_space<hbm>>, %arg4: memref<2x32xf32, #tpu.memory_space<hbm>>, %arg5: memref<2x32xi32, #tpu.memory_space<hbm>>, %arg6: memref<50000xf32, #tpu.memory_space<vmem>>, %arg7: memref<50000xi32, #tpu.memory_space<vmem>>, %arg8: memref<512xf32, #tpu.memory_space<vmem>>, %arg9: memref<512xi32, #tpu.memory_space<vmem>>, %arg10: memref<32xf32, #tpu.memory_space<vmem>>, %arg11: memref<32xi32, #tpu.memory_space<vmem>>, %arg12: memref<512xf32, #tpu.memory_space<vmem_shared>>, %arg13: memref<512xi32, #tpu.memory_space<vmem_shared>>, %arg14: memref<512xf32, #tpu.memory_space<vmem>>, %arg15: memref<512xi32, #tpu.memory_space<vmem>>) attributes {dimension_semantics = [#tpu.dimension_semantics<core_parallel>, #tpu.dimension_semantics<subcore_parallel>], iteration_bounds = array<i64: 2, 16>, scalar_prefetch = 0 : i64, scratch_operands = 10 : i64, tpu.core_type = #tpu.core_type<sc_vector_subcore>, window_params = [{transform_indices = #map}, {transform_indices = #map}, {transform_indices = #map1}, {transform_indices = #map1}]} {
    %mul3A = arith.constant 2 : i32
    %mul3A_0 = arith.muli %arg1, %mul3A : i32
    %add3A = arith.addi %mul3A_0, %arg0 : i32
    %mul3A_1 = arith.constant 50000 : i32
    %mul3A_2 = arith.muli %add3A, %mul3A_1 : i32
    "tpu.region"() ({
      %run_scoped3A = tpu.sem_alloc : memref<!tpu.dma_semaphore, #tpu.memory_space<semaphore_mem>>
      %dma_start3A = tpu.memref_slice %arg2[%mul3A_2] : memref<1600000xf32, #tpu.memory_space<hbm>> -> memref<50000xf32, #tpu.memory_space<hbm>>
      %dma_start3A_486 = tpu.memref_slice %arg2[%mul3A_2] : memref<1600000xf32, #tpu.memory_space<hbm>> -> memref<50000xf32, #tpu.memory_space<hbm>>
      tpu.enqueue_dma source(%dma_start3A_486 : memref<50000xf32, #tpu.memory_space<hbm>>) target(%arg6 : memref<50000xf32, #tpu.memory_space<vmem>>) target_semaphore(%run_scoped3A : memref<!tpu.dma_semaphore, #tpu.memory_space<semaphore_mem>>)
      %dma_wait3A = tpu.memref_slice %arg2[%mul3A_2] : memref<1600000xf32, #tpu.memory_space<hbm>> -> memref<50000xf32, #tpu.memory_space<hbm>>
      %dma_wait3A_487 = tpu.memref_slice %arg2[%mul3A_2] : memref<1600000xf32, #tpu.memory_space<hbm>> -> memref<50000xf32, #tpu.memory_space<hbm>>
      tpu.wait_dma2 semaphore(%run_scoped3A : memref<!tpu.dma_semaphore, #tpu.memory_space<semaphore_mem>>) src(%dma_wait3A_487 : memref<50000xf32, #tpu.memory_space<hbm>>) dst(%arg6 : memref<50000xf32, #tpu.memory_space<vmem>>)
      tpu.yield
    }) : () -> ()
    "tpu.region"() ({
      %run_scoped3A = tpu.sem_alloc : memref<!tpu.dma_semaphore, #tpu.memory_space<semaphore_mem>>
      %dma_start3A = tpu.memref_slice %arg3[%mul3A_2] : memref<1600000xi32, #tpu.memory_space<hbm>> -> memref<50000xi32, #tpu.memory_space<hbm>>
      %dma_start3A_486 = tpu.memref_slice %arg3[%mul3A_2] : memref<1600000xi32, #tpu.memory_space<hbm>> -> memref<50000xi32, #tpu.memory_space<hbm>>
      tpu.enqueue_dma source(%dma_start3A_486 : memref<50000xi32, #tpu.memory_space<hbm>>) target(%arg7 : memref<50000xi32, #tpu.memory_space<vmem>>) target_semaphore(%run_scoped3A : memref<!tpu.dma_semaphore, #tpu.memory_space<semaphore_mem>>)
      %dma_wait3A = tpu.memref_slice %arg3[%mul3A_2] : memref<1600000xi32, #tpu.memory_space<hbm>> -> memref<50000xi32, #tpu.memory_space<hbm>>
      %dma_wait3A_487 = tpu.memref_slice %arg3[%mul3A_2] : memref<1600000xi32, #tpu.memory_space<hbm>> -> memref<50000xi32, #tpu.memory_space<hbm>>
      tpu.wait_dma2 semaphore(%run_scoped3A : memref<!tpu.dma_semaphore, #tpu.memory_space<semaphore_mem>>) src(%dma_wait3A_487 : memref<50000xi32, #tpu.memory_space<hbm>>) dst(%arg7 : memref<50000xi32, #tpu.memory_space<vmem>>)
      tpu.yield
    }) : () -> ()
    %broadcast_in_dim3A = arith.constant 0.000000e+00 : f32
    %broadcast_in_dim3A_3 = vector.broadcast %broadcast_in_dim3A : f32 to vector<16xf32>
    %broadcast_in_dim3A_4 = arith.constant 0 : i32
    %broadcast_in_dim3A_5 = vector.broadcast %broadcast_in_dim3A_4 : i32 to vector<16xi32>
    %swap3A = arith.constant 0 : index
    %swap3A_6 = tpu.vector_load %arg8[%swap3A] {strides = array<i32>} : memref<512xf32, #tpu.memory_space<vmem>>, vector<16xf32>,
    tpu.vector_store %arg8[%swap3A], %broadcast_in_dim3A_3 {strides = array<i32>} : memref<512xf32, #tpu.memory_space<vmem>>, vector<16xf32>,
    %swap3A_7 = arith.constant 0 : index
    %swap3A_8 = tpu.vector_load %arg9[%swap3A_7] {strides = array<i32>} : memref<512xi32, #tpu.memory_space<vmem>>, vector<16xi32>,
    tpu.vector_store %arg9[%swap3A_7], %broadcast_in_dim3A_5 {strides = array<i32>} : memref<512xi32, #tpu.memory_space<vmem>>, vector<16xi32>,
    %swap3A_9 = arith.constant 16 : index
    %swap3A_10 = tpu.vector_load %arg8[%swap3A_9] {strides = array<i32>} : memref<512xf32, #tpu.memory_space<vmem>>, vector<16xf32>,
    tpu.vector_store %arg8[%swap3A_9], %broadcast_in_dim3A_3 {strides = array<i32>} : memref<512xf32, #tpu.memory_space<vmem>>, vector<16xf32>,
    %swap3A_11 = arith.constant 16 : index
    %swap3A_12 = tpu.vector_load %arg9[%swap3A_11] {strides = array<i32>} : memref<512xi32, #tpu.memory_space<vmem>>, vector<16xi32>,
    tpu.vector_store %arg9[%swap3A_11], %broadcast_in_dim3A_5 {strides = array<i32>} : memref<512xi32, #tpu.memory_space<vmem>>, vector<16xi32>,
    %swap3A_13 = arith.constant 32 : index
    %swap3A_14 = tpu.vector_load %arg8[%swap3A_13] {strides = array<i32>} : memref<512xf32, #tpu.memory_space<vmem>>, vector<16xf32>,
    tpu.vector_store %arg8[%swap3A_13], %broadcast_in_dim3A_3 {strides = array<i32>} : memref<512xf32, #tpu.memory_space<vmem>>, vector<16xf32>,
    %swap3A_15 = arith.constant 32 : index
    %swap3A_16 = tpu.vector_load %arg9[%swap3A_15] {strides = array<i32>} : memref<512xi32, #tpu.memory_space<vmem>>, vector<16xi32>,
    tpu.vector_store %arg9[%swap3A_15], %broadcast_in_dim3A_5 {strides = array<i32>} : memref<512xi32, #tpu.memory_space<vmem>>, vector<16xi32>,
    %swap3A_17 = arith.constant 48 : index
    %swap3A_18 = tpu.vector_load %arg8[%swap3A_17] {strides = array<i32>} : memref<512xf32, #tpu.memory_space<vmem>>, vector<16xf32>,
    tpu.vector_store %arg8[%swap3A_17], %broadcast_in_dim3A_3 {strides = array<i32>} : memref<512xf32, #tpu.memory_space<vmem>>, vector<16xf32>,
    %swap3A_19 = arith.constant 48 : index
    %swap3A_20 = tpu.vector_load %arg9[%swap3A_19] {strides = array<i32>} : memref<512xi32, #tpu.memory_space<vmem>>, vector<16xi32>,
    tpu.vector_store %arg9[%swap3A_19], %broadcast_in_dim3A_5 {strides = array<i32>} : memref<512xi32, #tpu.memory_space<vmem>>, vector<16xi32>,
    %swap3A_21 = arith.constant 64 : index
    %swap3A_22 = tpu.vector_load %arg8[%swap3A_21] {strides = array<i32>} : memref<512xf32, #tpu.memory_space<vmem>>, vector<16xf32>,
    tpu.vector_store %arg8[%swap3A_21], %broadcast_in_dim3A_3 {strides = array<i32>} : memref<512xf32, #tpu.memory_space<vmem>>, vector<16xf32>,
    %swap3A_23 = arith.constant 64 : index
    %swap3A_24 = tpu.vector_load %arg9[%swap3A_23] {strides = array<i32>} : memref<512xi32, #tpu.memory_space<vmem>>, vector<16xi32>,
    tpu.vector_store %arg9[%swap3A_23], %broadcast_in_dim3A_5 {strides = array<i32>} : memref<512xi32, #tpu.memory_space<vmem>>, vector<16xi32>,
    %swap3A_25 = arith.constant 80 : index
    %swap3A_26 = tpu.vector_load %arg8[%swap3A_25] {strides = array<i32>} : memref<512xf32, #tpu.memory_space<vmem>>, vector<16xf32>,
    tpu.vector_store %arg8[%swap3A_25], %broadcast_in_dim3A_3 {strides = array<i32>} : memref<512xf32, #tpu.memory_space<vmem>>, vector<16xf32>,
    %swap3A_27 = arith.constant 80 : index
    %swap3A_28 = tpu.vector_load %arg9[%swap3A_27] {strides = array<i32>} : memref<512xi32, #tpu.memory_space<vmem>>, vector<16xi32>,
    tpu.vector_store %arg9[%swap3A_27], %broadcast_in_dim3A_5 {strides = array<i32>} : memref<512xi32, #tpu.memory_space<vmem>>, vector<16xi32>,
    %swap3A_29 = arith.constant 96 : index
    %swap3A_30 = tpu.vector_load %arg8[%swap3A_29] {strides = array<i32>} : memref<512xf32, #tpu.memory_space<vmem>>, vector<16xf32>,
    tpu.vector_store %arg8[%swap3A_29], %broadcast_in_dim3A_3 {strides = array<i32>} : memref<512xf32, #tpu.memory_space<vmem>>, vector<16xf32>,
    %swap3A_31 = arith.constant 96 : index
    %swap3A_32 = tpu.vector_load %arg9[%swap3A_31] {strides = array<i32>} : memref<512xi32, #tpu.memory_space<vmem>>, vector<16xi32>,
    tpu.vector_store %arg9[%swap3A_31], %broadcast_in_dim3A_5 {strides = array<i32>} : memref<512xi32, #tpu.memory_space<vmem>>, vector<16xi32>,
    %swap3A_33 = arith.constant 112 : index
    %swap3A_34 = tpu.vector_load %arg8[%swap3A_33] {strides = array<i32>} : memref<512xf32, #tpu.memory_space<vmem>>, vector<16xf32>,
    tpu.vector_store %arg8[%swap3A_33], %broadcast_in_dim3A_3 {strides = array<i32>} : memref<512xf32, #tpu.memory_space<vmem>>, vector<16xf32>,
    %swap3A_35 = arith.constant 112 : index
    %swap3A_36 = tpu.vector_load %arg9[%swap3A_35] {strides = array<i32>} : memref<512xi32, #tpu.memory_space<vmem>>, vector<16xi32>,
    tpu.vector_store %arg9[%swap3A_35], %broadcast_in_dim3A_5 {strides = array<i32>} : memref<512xi32, #tpu.memory_space<vmem>>, vector<16xi32>,
    %swap3A_37 = arith.constant 128 : index
    %swap3A_38 = tpu.vector_load %arg8[%swap3A_37] {strides = array<i32>} : memref<512xf32, #tpu.memory_space<vmem>>, vector<16xf32>,
    tpu.vector_store %arg8[%swap3A_37], %broadcast_in_dim3A_3 {strides = array<i32>} : memref<512xf32, #tpu.memory_space<vmem>>, vector<16xf32>,
    %swap3A_39 = arith.constant 128 : index
    %swap3A_40 = tpu.vector_load %arg9[%swap3A_39] {strides = array<i32>} : memref<512xi32, #tpu.memory_space<vmem>>, vector<16xi32>,
    tpu.vector_store %arg9[%swap3A_39], %broadcast_in_dim3A_5 {strides = array<i32>} : memref<512xi32, #tpu.memory_space<vmem>>, vector<16xi32>,
    %swap3A_41 = arith.constant 144 : index
    %swap3A_42 = tpu.vector_load %arg8[%swap3A_41] {strides = array<i32>} : memref<512xf32, #tpu.memory_space<vmem>>, vector<16xf32>,
    tpu.vector_store %arg8[%swap3A_41], %broadcast_in_dim3A_3 {strides = array<i32>} : memref<512xf32, #tpu.memory_space<vmem>>, vector<16xf32>,
    %swap3A_43 = arith.constant 144 : index
    %swap3A_44 = tpu.vector_load %arg9[%swap3A_43] {strides = array<i32>} : memref<512xi32, #tpu.memory_space<vmem>>, vector<16xi32>,
    tpu.vector_store %arg9[%swap3A_43], %broadcast_in_dim3A_5 {strides = array<i32>} : memref<512xi32, #tpu.memory_space<vmem>>, vector<16xi32>,
    %swap3A_45 = arith.constant 160 : index
    %swap3A_46 = tpu.vector_load %arg8[%swap3A_45] {strides = array<i32>} : memref<512xf32, #tpu.memory_space<vmem>>, vector<16xf32>,
    tpu.vector_store %arg8[%swap3A_45], %broadcast_in_dim3A_3 {strides = array<i32>} : memref<512xf32, #tpu.memory_space<vmem>>, vector<16xf32>,
    %swap3A_47 = arith.constant 160 : index
    %swap3A_48 = tpu.vector_load %arg9[%swap3A_47] {strides = array<i32>} : memref<512xi32, #tpu.memory_space<vmem>>, vector<16xi32>,
    tpu.vector_store %arg9[%swap3A_47], %broadcast_in_dim3A_5 {strides = array<i32>} : memref<512xi32, #tpu.memory_space<vmem>>, vector<16xi32>,
    %swap3A_49 = arith.constant 176 : index
    %swap3A_50 = tpu.vector_load %arg8[%swap3A_49] {strides = array<i32>} : memref<512xf32, #tpu.memory_space<vmem>>, vector<16xf32>,
    tpu.vector_store %arg8[%swap3A_49], %broadcast_in_dim3A_3 {strides = array<i32>} : memref<512xf32, #tpu.memory_space<vmem>>, vector<16xf32>,
    %swap3A_51 = arith.constant 176 : index
    %swap3A_52 = tpu.vector_load %arg9[%swap3A_51] {strides = array<i32>} : memref<512xi32, #tpu.memory_space<vmem>>, vector<16xi32>,
    tpu.vector_store %arg9[%swap3A_51], %broadcast_in_dim3A_5 {strides = array<i32>} : memref<512xi32, #tpu.memory_space<vmem>>, vector<16xi32>,
    %swap3A_53 = arith.constant 192 : index
    %swap3A_54 = tpu.vector_load %arg8[%swap3A_53] {strides = array<i32>} : memref<512xf32, #tpu.memory_space<vmem>>, vector<16xf32>,
    tpu.vector_store %arg8[%swap3A_53], %broadcast_in_dim3A_3 {strides = array<i32>} : memref<512xf32, #tpu.memory_space<vmem>>, vector<16xf32>,
    %swap3A_55 = arith.constant 192 : index
    %swap3A_56 = tpu.vector_load %arg9[%swap3A_55] {strides = array<i32>} : memref<512xi32, #tpu.memory_space<vmem>>, vector<16xi32>,
    tpu.vector_store %arg9[%swap3A_55], %broadcast_in_dim3A_5 {strides = array<i32>} : memref<512xi32, #tpu.memory_space<vmem>>, vector<16xi32>,
    %swap3A_57 = arith.constant 208 : index
    %swap3A_58 = tpu.vector_load %arg8[%swap3A_57] {strides = array<i32>} : memref<512xf32, #tpu.memory_space<vmem>>, vector<16xf32>,
    tpu.vector_store %arg8[%swap3A_57], %broadcast_in_dim3A_3 {strides = array<i32>} : memref<512xf32, #tpu.memory_space<vmem>>, vector<16xf32>,
    %swap3A_59 = arith.constant 208 : index
    %swap3A_60 = tpu.vector_load %arg9[%swap3A_59] {strides = array<i32>} : memref<512xi32, #tpu.memory_space<vmem>>, vector<16xi32>,
    tpu.vector_store %arg9[%swap3A_59], %broadcast_in_dim3A_5 {strides = array<i32>} : memref<512xi32, #tpu.memory_space<vmem>>, vector<16xi32>,
    %swap3A_61 = arith.constant 224 : index
    %swap3A_62 = tpu.vector_load %arg8[%swap3A_61] {strides = array<i32>} : memref<512xf32, #tpu.memory_space<vmem>>, vector<16xf32>,
    tpu.vector_store %arg8[%swap3A_61], %broadcast_in_dim3A_3 {strides = array<i32>} : memref<512xf32, #tpu.memory_space<vmem>>, vector<16xf32>,
    %swap3A_63 = arith.constant 224 : index
    %swap3A_64 = tpu.vector_load %arg9[%swap3A_63] {strides = array<i32>} : memref<512xi32, #tpu.memory_space<vmem>>, vector<16xi32>,
    tpu.vector_store %arg9[%swap3A_63], %broadcast_in_dim3A_5 {strides = array<i32>} : memref<512xi32, #tpu.memory_space<vmem>>, vector<16xi32>,
    %swap3A_65 = arith.constant 240 : index
    %swap3A_66 = tpu.vector_load %arg8[%swap3A_65] {strides = array<i32>} : memref<512xf32, #tpu.memory_space<vmem>>, vector<16xf32>,
    tpu.vector_store %arg8[%swap3A_65], %broadcast_in_dim3A_3 {strides = array<i32>} : memref<512xf32, #tpu.memory_space<vmem>>, vector<16xf32>,
    %swap3A_67 = arith.constant 240 : index
    %swap3A_68 = tpu.vector_load %arg9[%swap3A_67] {strides = array<i32>} : memref<512xi32, #tpu.memory_space<vmem>>, vector<16xi32>,
    tpu.vector_store %arg9[%swap3A_67], %broadcast_in_dim3A_5 {strides = array<i32>} : memref<512xi32, #tpu.memory_space<vmem>>, vector<16xi32>,
    %swap3A_69 = arith.constant 256 : index
    %swap3A_70 = tpu.vector_load %arg8[%swap3A_69] {strides = array<i32>} : memref<512xf32, #tpu.memory_space<vmem>>, vector<16xf32>,
    tpu.vector_store %arg8[%swap3A_69], %broadcast_in_dim3A_3 {strides = array<i32>} : memref<512xf32, #tpu.memory_space<vmem>>, vector<16xf32>,
    %swap3A_71 = arith.constant 256 : index
    %swap3A_72 = tpu.vector_load %arg9[%swap3A_71] {strides = array<i32>} : memref<512xi32, #tpu.memory_space<vmem>>, vector<16xi32>,
    tpu.vector_store %arg9[%swap3A_71], %broadcast_in_dim3A_5 {strides = array<i32>} : memref<512xi32, #tpu.memory_space<vmem>>, vector<16xi32>,
    %swap3A_73 = arith.constant 272 : index
    %swap3A_74 = tpu.vector_load %arg8[%swap3A_73] {strides = array<i32>} : memref<512xf32, #tpu.memory_space<vmem>>, vector<16xf32>,
    tpu.vector_store %arg8[%swap3A_73], %broadcast_in_dim3A_3 {strides = array<i32>} : memref<512xf32, #tpu.memory_space<vmem>>, vector<16xf32>,
    %swap3A_75 = arith.constant 272 : index
    %swap3A_76 = tpu.vector_load %arg9[%swap3A_75] {strides = array<i32>} : memref<512xi32, #tpu.memory_space<vmem>>, vector<16xi32>,
    tpu.vector_store %arg9[%swap3A_75], %broadcast_in_dim3A_5 {strides = array<i32>} : memref<512xi32, #tpu.memory_space<vmem>>, vector<16xi32>,
    %swap3A_77 = arith.constant 288 : index
    %swap3A_78 = tpu.vector_load %arg8[%swap3A_77] {strides = array<i32>} : memref<512xf32, #tpu.memory_space<vmem>>, vector<16xf32>,
    tpu.vector_store %arg8[%swap3A_77], %broadcast_in_dim3A_3 {strides = array<i32>} : memref<512xf32, #tpu.memory_space<vmem>>, vector<16xf32>,
    %swap3A_79 = arith.constant 288 : index
    %swap3A_80 = tpu.vector_load %arg9[%swap3A_79] {strides = array<i32>} : memref<512xi32, #tpu.memory_space<vmem>>, vector<16xi32>,
    tpu.vector_store %arg9[%swap3A_79], %broadcast_in_dim3A_5 {strides = array<i32>} : memref<512xi32, #tpu.memory_space<vmem>>, vector<16xi32>,
    %swap3A_81 = arith.constant 304 : index
    %swap3A_82 = tpu.vector_load %arg8[%swap3A_81] {strides = array<i32>} : memref<512xf32, #tpu.memory_space<vmem>>, vector<16xf32>,
    tpu.vector_store %arg8[%swap3A_81], %broadcast_in_dim3A_3 {strides = array<i32>} : memref<512xf32, #tpu.memory_space<vmem>>, vector<16xf32>,
    %swap3A_83 = arith.constant 304 : index
    %swap3A_84 = tpu.vector_load %arg9[%swap3A_83] {strides = array<i32>} : memref<512xi32, #tpu.memory_space<vmem>>, vector<16xi32>,
    tpu.vector_store %arg9[%swap3A_83], %broadcast_in_dim3A_5 {strides = array<i32>} : memref<512xi32, #tpu.memory_space<vmem>>, vector<16xi32>,
    %swap3A_85 = arith.constant 320 : index
    %swap3A_86 = tpu.vector_load %arg8[%swap3A_85] {strides = array<i32>} : memref<512xf32, #tpu.memory_space<vmem>>, vector<16xf32>,
    tpu.vector_store %arg8[%swap3A_85], %broadcast_in_dim3A_3 {strides = array<i32>} : memref<512xf32, #tpu.memory_space<vmem>>, vector<16xf32>,
    %swap3A_87 = arith.constant 320 : index
    %swap3A_88 = tpu.vector_load %arg9[%swap3A_87] {strides = array<i32>} : memref<512xi32, #tpu.memory_space<vmem>>, vector<16xi32>,
    tpu.vector_store %arg9[%swap3A_87], %broadcast_in_dim3A_5 {strides = array<i32>} : memref<512xi32, #tpu.memory_space<vmem>>, vector<16xi32>,
    %swap3A_89 = arith.constant 336 : index
    %swap3A_90 = tpu.vector_load %arg8[%swap3A_89] {strides = array<i32>} : memref<512xf32, #tpu.memory_space<vmem>>, vector<16xf32>,
    tpu.vector_store %arg8[%swap3A_89], %broadcast_in_dim3A_3 {strides = array<i32>} : memref<512xf32, #tpu.memory_space<vmem>>, vector<16xf32>,
    %swap3A_91 = arith.constant 336 : index
    %swap3A_92 = tpu.vector_load %arg9[%swap3A_91] {strides = array<i32>} : memref<512xi32, #tpu.memory_space<vmem>>, vector<16xi32>,
    tpu.vector_store %arg9[%swap3A_91], %broadcast_in_dim3A_5 {strides = array<i32>} : memref<512xi32, #tpu.memory_space<vmem>>, vector<16xi32>,
    %swap3A_93 = arith.constant 352 : index
    %swap3A_94 = tpu.vector_load %arg8[%swap3A_93] {strides = array<i32>} : memref<512xf32, #tpu.memory_space<vmem>>, vector<16xf32>,
    tpu.vector_store %arg8[%swap3A_93], %broadcast_in_dim3A_3 {strides = array<i32>} : memref<512xf32, #tpu.memory_space<vmem>>, vector<16xf32>,
    %swap3A_95 = arith.constant 352 : index
    %swap3A_96 = tpu.vector_load %arg9[%swap3A_95] {strides = array<i32>} : memref<512xi32, #tpu.memory_space<vmem>>, vector<16xi32>,
    tpu.vector_store %arg9[%swap3A_95], %broadcast_in_dim3A_5 {strides = array<i32>} : memref<512xi32, #tpu.memory_space<vmem>>, vector<16xi32>,
    %swap3A_97 = arith.constant 368 : index
    %swap3A_98 = tpu.vector_load %arg8[%swap3A_97] {strides = array<i32>} : memref<512xf32, #tpu.memory_space<vmem>>, vector<16xf32>,
    tpu.vector_store %arg8[%swap3A_97], %broadcast_in_dim3A_3 {strides = array<i32>} : memref<512xf32, #tpu.memory_space<vmem>>, vector<16xf32>,
    %swap3A_99 = arith.constant 368 : index
    %swap3A_100 = tpu.vector_load %arg9[%swap3A_99] {strides = array<i32>} : memref<512xi32, #tpu.memory_space<vmem>>, vector<16xi32>,
    tpu.vector_store %arg9[%swap3A_99], %broadcast_in_dim3A_5 {strides = array<i32>} : memref<512xi32, #tpu.memory_space<vmem>>, vector<16xi32>,
    %swap3A_101 = arith.constant 384 : index
    %swap3A_102 = tpu.vector_load %arg8[%swap3A_101] {strides = array<i32>} : memref<512xf32, #tpu.memory_space<vmem>>, vector<16xf32>,
    tpu.vector_store %arg8[%swap3A_101], %broadcast_in_dim3A_3 {strides = array<i32>} : memref<512xf32, #tpu.memory_space<vmem>>, vector<16xf32>,
    %swap3A_103 = arith.constant 384 : index
    %swap3A_104 = tpu.vector_load %arg9[%swap3A_103] {strides = array<i32>} : memref<512xi32, #tpu.memory_space<vmem>>, vector<16xi32>,
    tpu.vector_store %arg9[%swap3A_103], %broadcast_in_dim3A_5 {strides = array<i32>} : memref<512xi32, #tpu.memory_space<vmem>>, vector<16xi32>,
    %swap3A_105 = arith.constant 400 : index
    %swap3A_106 = tpu.vector_load %arg8[%swap3A_105] {strides = array<i32>} : memref<512xf32, #tpu.memory_space<vmem>>, vector<16xf32>,
    tpu.vector_store %arg8[%swap3A_105], %broadcast_in_dim3A_3 {strides = array<i32>} : memref<512xf32, #tpu.memory_space<vmem>>, vector<16xf32>,
    %swap3A_107 = arith.constant 400 : index
    %swap3A_108 = tpu.vector_load %arg9[%swap3A_107] {strides = array<i32>} : memref<512xi32, #tpu.memory_space<vmem>>, vector<16xi32>,
    tpu.vector_store %arg9[%swap3A_107], %broadcast_in_dim3A_5 {strides = array<i32>} : memref<512xi32, #tpu.memory_space<vmem>>, vector<16xi32>,
    %swap3A_109 = arith.constant 416 : index
    %swap3A_110 = tpu.vector_load %arg8[%swap3A_109] {strides = array<i32>} : memref<512xf32, #tpu.memory_space<vmem>>, vector<16xf32>,
    tpu.vector_store %arg8[%swap3A_109], %broadcast_in_dim3A_3 {strides = array<i32>} : memref<512xf32, #tpu.memory_space<vmem>>, vector<16xf32>,
    %swap3A_111 = arith.constant 416 : index
    %swap3A_112 = tpu.vector_load %arg9[%swap3A_111] {strides = array<i32>} : memref<512xi32, #tpu.memory_space<vmem>>, vector<16xi32>,
    tpu.vector_store %arg9[%swap3A_111], %broadcast_in_dim3A_5 {strides = array<i32>} : memref<512xi32, #tpu.memory_space<vmem>>, vector<16xi32>,
    %swap3A_113 = arith.constant 432 : index
    %swap3A_114 = tpu.vector_load %arg8[%swap3A_113] {strides = array<i32>} : memref<512xf32, #tpu.memory_space<vmem>>, vector<16xf32>,
    tpu.vector_store %arg8[%swap3A_113], %broadcast_in_dim3A_3 {strides = array<i32>} : memref<512xf32, #tpu.memory_space<vmem>>, vector<16xf32>,
    %swap3A_115 = arith.constant 432 : index
    %swap3A_116 = tpu.vector_load %arg9[%swap3A_115] {strides = array<i32>} : memref<512xi32, #tpu.memory_space<vmem>>, vector<16xi32>,
    tpu.vector_store %arg9[%swap3A_115], %broadcast_in_dim3A_5 {strides = array<i32>} : memref<512xi32, #tpu.memory_space<vmem>>, vector<16xi32>,
    %swap3A_117 = arith.constant 448 : index
    %swap3A_118 = tpu.vector_load %arg8[%swap3A_117] {strides = array<i32>} : memref<512xf32, #tpu.memory_space<vmem>>, vector<16xf32>,
    tpu.vector_store %arg8[%swap3A_117], %broadcast_in_dim3A_3 {strides = array<i32>} : memref<512xf32, #tpu.memory_space<vmem>>, vector<16xf32>,
    %swap3A_119 = arith.constant 448 : index
    %swap3A_120 = tpu.vector_load %arg9[%swap3A_119] {strides = array<i32>} : memref<512xi32, #tpu.memory_space<vmem>>, vector<16xi32>,
    tpu.vector_store %arg9[%swap3A_119], %broadcast_in_dim3A_5 {strides = array<i32>} : memref<512xi32, #tpu.memory_space<vmem>>, vector<16xi32>,
    %swap3A_121 = arith.constant 464 : index
    %swap3A_122 = tpu.vector_load %arg8[%swap3A_121] {strides = array<i32>} : memref<512xf32, #tpu.memory_space<vmem>>, vector<16xf32>,
    tpu.vector_store %arg8[%swap3A_121], %broadcast_in_dim3A_3 {strides = array<i32>} : memref<512xf32, #tpu.memory_space<vmem>>, vector<16xf32>,
    %swap3A_123 = arith.constant 464 : index
    %swap3A_124 = tpu.vector_load %arg9[%swap3A_123] {strides = array<i32>} : memref<512xi32, #tpu.memory_space<vmem>>, vector<16xi32>,
    tpu.vector_store %arg9[%swap3A_123], %broadcast_in_dim3A_5 {strides = array<i32>} : memref<512xi32, #tpu.memory_space<vmem>>, vector<16xi32>,
    %swap3A_125 = arith.constant 480 : index
    %swap3A_126 = tpu.vector_load %arg8[%swap3A_125] {strides = array<i32>} : memref<512xf32, #tpu.memory_space<vmem>>, vector<16xf32>,
    tpu.vector_store %arg8[%swap3A_125], %broadcast_in_dim3A_3 {strides = array<i32>} : memref<512xf32, #tpu.memory_space<vmem>>, vector<16xf32>,
    %swap3A_127 = arith.constant 480 : index
    %swap3A_128 = tpu.vector_load %arg9[%swap3A_127] {strides = array<i32>} : memref<512xi32, #tpu.memory_space<vmem>>, vector<16xi32>,
    tpu.vector_store %arg9[%swap3A_127], %broadcast_in_dim3A_5 {strides = array<i32>} : memref<512xi32, #tpu.memory_space<vmem>>, vector<16xi32>,
    %swap3A_129 = arith.constant 496 : index
    %swap3A_130 = tpu.vector_load %arg8[%swap3A_129] {strides = array<i32>} : memref<512xf32, #tpu.memory_space<vmem>>, vector<16xf32>,
    tpu.vector_store %arg8[%swap3A_129], %broadcast_in_dim3A_3 {strides = array<i32>} : memref<512xf32, #tpu.memory_space<vmem>>, vector<16xf32>,
    %swap3A_131 = arith.constant 496 : index
    %swap3A_132 = tpu.vector_load %arg9[%swap3A_131] {strides = array<i32>} : memref<512xi32, #tpu.memory_space<vmem>>, vector<16xi32>,
    tpu.vector_store %arg9[%swap3A_131], %broadcast_in_dim3A_5 {strides = array<i32>} : memref<512xi32, #tpu.memory_space<vmem>>, vector<16xi32>,
    %iota3A = tpu.iota {dimensions = array<i32: 0>} : vector<16xi32>
    %broadcast_in_dim3A_133 = arith.constant 1 : i32
    %broadcast_in_dim3A_134 = vector.broadcast %broadcast_in_dim3A_133 : i32 to vector<16xi32>
    %parallel_loop3A = arith.constant 0 : i32
    %parallel_loop3A_135 = arith.constant 50000 : i32
    %parallel_loop3A_136 = arith.constant 16 : i32
    scf.for %parallel_loop3A_486 = %parallel_loop3A to %parallel_loop3A_135 step %parallel_loop3A_136  : i32 {
      %parallel_loop3A_487 = arith.index_cast %parallel_loop3A_486 : i32 to index
      %parallel_loop3A_488 = tpu.vector_load %arg7[%parallel_loop3A_487] {strides = array<i32>} : memref<50000xi32, #tpu.memory_space<vmem>>, vector<16xi32>,
      %parallel_loop3A_489 = arith.constant 16 : i32
      %parallel_loop3A_490 = vector.broadcast %parallel_loop3A_489 : i32 to vector<16xi32>
      %parallel_loop3A_491 = arith.muli %parallel_loop3A_488, %parallel_loop3A_490 : vector<16xi32>
      %parallel_loop3A_492 = arith.addi %parallel_loop3A_491, %iota3A : vector<16xi32>
      %parallel_loop3A_493 = arith.index_cast %parallel_loop3A_486 : i32 to index
      %parallel_loop3A_494 = tpu.vector_load %arg6[%parallel_loop3A_493] {strides = array<i32>} : memref<50000xf32, #tpu.memory_space<vmem>>, vector<16xf32>,
      tpu.vector_store_idx %arg8[%parallel_loop3A_492], %parallel_loop3A_494 {add = true} : memref<512xf32, #tpu.memory_space<vmem>>[vector<16xi32>], vector<16xf32>,
      tpu.vector_store_idx %arg9[%parallel_loop3A_492], %broadcast_in_dim3A_134 {add = true} : memref<512xi32, #tpu.memory_space<vmem>>[vector<16xi32>], vector<16xi32>,
    } {sc.loop_unroll_factor = 8 : i64, sc.parallel_access}
    %iota3A_137 = tpu.iota {dimensions = array<i32: 0>} : vector<16xi32>
    %mul3A_138 = arith.constant 16 : i32
    %mul3A_139 = vector.broadcast %mul3A_138 : i32 to vector<16xi32>
    %mul3A_140 = arith.muli %iota3A_137, %mul3A_139 : vector<16xi32>
    %broadcast_in_dim3A_141 = arith.constant 0.000000e+00 : f32
    %broadcast_in_dim3A_142 = vector.broadcast %broadcast_in_dim3A_141 : f32 to vector<16xf32>
    %broadcast_in_dim3A_143 = arith.constant 0.000000e+00 : f32
    %broadcast_in_dim3A_144 = vector.broadcast %broadcast_in_dim3A_143 : f32 to vector<16xf32>
    %add3A_145 = arith.constant 0 : i32
    %add3A_146 = vector.broadcast %add3A_145 : i32 to vector<16xi32>
    %add3A_147 = arith.addi %mul3A_140, %add3A_146 : vector<16xi32>
    %gather3A = tpu.vector_load_idx %arg8[%add3A_147] : memref<512xf32, #tpu.memory_space<vmem>>[vector<16xi32>], vector<16xf32>,
    %add3A_148 = arith.addf %broadcast_in_dim3A_142, %gather3A : vector<16xf32>
    %add3A_149 = arith.constant 256 : i32
    %add3A_150 = vector.broadcast %add3A_149 : i32 to vector<16xi32>
    %add3A_151 = arith.addi %mul3A_140, %add3A_150 : vector<16xi32>
    %gather3A_152 = tpu.vector_load_idx %arg8[%add3A_151] : memref<512xf32, #tpu.memory_space<vmem>>[vector<16xi32>], vector<16xf32>,
    %add3A_153 = arith.addf %broadcast_in_dim3A_144, %gather3A_152 : vector<16xf32>
    %add3A_154 = arith.constant 1 : i32
    %add3A_155 = vector.broadcast %add3A_154 : i32 to vector<16xi32>
    %add3A_156 = arith.addi %mul3A_140, %add3A_155 : vector<16xi32>
    %gather3A_157 = tpu.vector_load_idx %arg8[%add3A_156] : memref<512xf32, #tpu.memory_space<vmem>>[vector<16xi32>], vector<16xf32>,
    %add3A_158 = arith.addf %add3A_148, %gather3A_157 : vector<16xf32>
    %add3A_159 = arith.constant 257 : i32
    %add3A_160 = vector.broadcast %add3A_159 : i32 to vector<16xi32>
    %add3A_161 = arith.addi %mul3A_140, %add3A_160 : vector<16xi32>
    %gather3A_162 = tpu.vector_load_idx %arg8[%add3A_161] : memref<512xf32, #tpu.memory_space<vmem>>[vector<16xi32>], vector<16xf32>,
    %add3A_163 = arith.addf %add3A_153, %gather3A_162 : vector<16xf32>
    %add3A_164 = arith.constant 2 : i32
    %add3A_165 = vector.broadcast %add3A_164 : i32 to vector<16xi32>
    %add3A_166 = arith.addi %mul3A_140, %add3A_165 : vector<16xi32>
    %gather3A_167 = tpu.vector_load_idx %arg8[%add3A_166] : memref<512xf32, #tpu.memory_space<vmem>>[vector<16xi32>], vector<16xf32>,
    %add3A_168 = arith.addf %add3A_158, %gather3A_167 : vector<16xf32>
    %add3A_169 = arith.constant 258 : i32
    %add3A_170 = vector.broadcast %add3A_169 : i32 to vector<16xi32>
    %add3A_171 = arith.addi %mul3A_140, %add3A_170 : vector<16xi32>
    %gather3A_172 = tpu.vector_load_idx %arg8[%add3A_171] : memref<512xf32, #tpu.memory_space<vmem>>[vector<16xi32>], vector<16xf32>,
    %add3A_173 = arith.addf %add3A_163, %gather3A_172 : vector<16xf32>
    %add3A_174 = arith.constant 3 : i32
    %add3A_175 = vector.broadcast %add3A_174 : i32 to vector<16xi32>
    %add3A_176 = arith.addi %mul3A_140, %add3A_175 : vector<16xi32>
    %gather3A_177 = tpu.vector_load_idx %arg8[%add3A_176] : memref<512xf32, #tpu.memory_space<vmem>>[vector<16xi32>], vector<16xf32>,
    %add3A_178 = arith.addf %add3A_168, %gather3A_177 : vector<16xf32>
    %add3A_179 = arith.constant 259 : i32
    %add3A_180 = vector.broadcast %add3A_179 : i32 to vector<16xi32>
    %add3A_181 = arith.addi %mul3A_140, %add3A_180 : vector<16xi32>
    %gather3A_182 = tpu.vector_load_idx %arg8[%add3A_181] : memref<512xf32, #tpu.memory_space<vmem>>[vector<16xi32>], vector<16xf32>,
    %add3A_183 = arith.addf %add3A_173, %gather3A_182 : vector<16xf32>
    %add3A_184 = arith.constant 4 : i32
    %add3A_185 = vector.broadcast %add3A_184 : i32 to vector<16xi32>
    %add3A_186 = arith.addi %mul3A_140, %add3A_185 : vector<16xi32>
    %gather3A_187 = tpu.vector_load_idx %arg8[%add3A_186] : memref<512xf32, #tpu.memory_space<vmem>>[vector<16xi32>], vector<16xf32>,
    %add3A_188 = arith.addf %add3A_178, %gather3A_187 : vector<16xf32>
    %add3A_189 = arith.constant 260 : i32
    %add3A_190 = vector.broadcast %add3A_189 : i32 to vector<16xi32>
    %add3A_191 = arith.addi %mul3A_140, %add3A_190 : vector<16xi32>
    %gather3A_192 = tpu.vector_load_idx %arg8[%add3A_191] : memref<512xf32, #tpu.memory_space<vmem>>[vector<16xi32>], vector<16xf32>,
    %add3A_193 = arith.addf %add3A_183, %gather3A_192 : vector<16xf32>
    %add3A_194 = arith.constant 5 : i32
    %add3A_195 = vector.broadcast %add3A_194 : i32 to vector<16xi32>
    %add3A_196 = arith.addi %mul3A_140, %add3A_195 : vector<16xi32>
    %gather3A_197 = tpu.vector_load_idx %arg8[%add3A_196] : memref<512xf32, #tpu.memory_space<vmem>>[vector<16xi32>], vector<16xf32>,
    %add3A_198 = arith.addf %add3A_188, %gather3A_197 : vector<16xf32>
    %add3A_199 = arith.constant 261 : i32
    %add3A_200 = vector.broadcast %add3A_199 : i32 to vector<16xi32>
    %add3A_201 = arith.addi %mul3A_140, %add3A_200 : vector<16xi32>
    %gather3A_202 = tpu.vector_load_idx %arg8[%add3A_201] : memref<512xf32, #tpu.memory_space<vmem>>[vector<16xi32>], vector<16xf32>,
    %add3A_203 = arith.addf %add3A_193, %gather3A_202 : vector<16xf32>
    %add3A_204 = arith.constant 6 : i32
    %add3A_205 = vector.broadcast %add3A_204 : i32 to vector<16xi32>
    %add3A_206 = arith.addi %mul3A_140, %add3A_205 : vector<16xi32>
    %gather3A_207 = tpu.vector_load_idx %arg8[%add3A_206] : memref<512xf32, #tpu.memory_space<vmem>>[vector<16xi32>], vector<16xf32>,
    %add3A_208 = arith.addf %add3A_198, %gather3A_207 : vector<16xf32>
    %add3A_209 = arith.constant 262 : i32
    %add3A_210 = vector.broadcast %add3A_209 : i32 to vector<16xi32>
    %add3A_211 = arith.addi %mul3A_140, %add3A_210 : vector<16xi32>
    %gather3A_212 = tpu.vector_load_idx %arg8[%add3A_211] : memref<512xf32, #tpu.memory_space<vmem>>[vector<16xi32>], vector<16xf32>,
    %add3A_213 = arith.addf %add3A_203, %gather3A_212 : vector<16xf32>
    %add3A_214 = arith.constant 7 : i32
    %add3A_215 = vector.broadcast %add3A_214 : i32 to vector<16xi32>
    %add3A_216 = arith.addi %mul3A_140, %add3A_215 : vector<16xi32>
    %gather3A_217 = tpu.vector_load_idx %arg8[%add3A_216] : memref<512xf32, #tpu.memory_space<vmem>>[vector<16xi32>], vector<16xf32>,
    %add3A_218 = arith.addf %add3A_208, %gather3A_217 : vector<16xf32>
    %add3A_219 = arith.constant 263 : i32
    %add3A_220 = vector.broadcast %add3A_219 : i32 to vector<16xi32>
    %add3A_221 = arith.addi %mul3A_140, %add3A_220 : vector<16xi32>
    %gather3A_222 = tpu.vector_load_idx %arg8[%add3A_221] : memref<512xf32, #tpu.memory_space<vmem>>[vector<16xi32>], vector<16xf32>,
    %add3A_223 = arith.addf %add3A_213, %gather3A_222 : vector<16xf32>
    %add3A_224 = arith.constant 8 : i32
    %add3A_225 = vector.broadcast %add3A_224 : i32 to vector<16xi32>
    %add3A_226 = arith.addi %mul3A_140, %add3A_225 : vector<16xi32>
    %gather3A_227 = tpu.vector_load_idx %arg8[%add3A_226] : memref<512xf32, #tpu.memory_space<vmem>>[vector<16xi32>], vector<16xf32>,
    %add3A_228 = arith.addf %add3A_218, %gather3A_227 : vector<16xf32>
    %add3A_229 = arith.constant 264 : i32
    %add3A_230 = vector.broadcast %add3A_229 : i32 to vector<16xi32>
    %add3A_231 = arith.addi %mul3A_140, %add3A_230 : vector<16xi32>
    %gather3A_232 = tpu.vector_load_idx %arg8[%add3A_231] : memref<512xf32, #tpu.memory_space<vmem>>[vector<16xi32>], vector<16xf32>,
    %add3A_233 = arith.addf %add3A_223, %gather3A_232 : vector<16xf32>
    %add3A_234 = arith.constant 9 : i32
    %add3A_235 = vector.broadcast %add3A_234 : i32 to vector<16xi32>
    %add3A_236 = arith.addi %mul3A_140, %add3A_235 : vector<16xi32>
    %gather3A_237 = tpu.vector_load_idx %arg8[%add3A_236] : memref<512xf32, #tpu.memory_space<vmem>>[vector<16xi32>], vector<16xf32>,
    %add3A_238 = arith.addf %add3A_228, %gather3A_237 : vector<16xf32>
    %add3A_239 = arith.constant 265 : i32
    %add3A_240 = vector.broadcast %add3A_239 : i32 to vector<16xi32>
    %add3A_241 = arith.addi %mul3A_140, %add3A_240 : vector<16xi32>
    %gather3A_242 = tpu.vector_load_idx %arg8[%add3A_241] : memref<512xf32, #tpu.memory_space<vmem>>[vector<16xi32>], vector<16xf32>,
    %add3A_243 = arith.addf %add3A_233, %gather3A_242 : vector<16xf32>
    %add3A_244 = arith.constant 10 : i32
    %add3A_245 = vector.broadcast %add3A_244 : i32 to vector<16xi32>
    %add3A_246 = arith.addi %mul3A_140, %add3A_245 : vector<16xi32>
    %gather3A_247 = tpu.vector_load_idx %arg8[%add3A_246] : memref<512xf32, #tpu.memory_space<vmem>>[vector<16xi32>], vector<16xf32>,
    %add3A_248 = arith.addf %add3A_238, %gather3A_247 : vector<16xf32>
    %add3A_249 = arith.constant 266 : i32
    %add3A_250 = vector.broadcast %add3A_249 : i32 to vector<16xi32>
    %add3A_251 = arith.addi %mul3A_140, %add3A_250 : vector<16xi32>
    %gather3A_252 = tpu.vector_load_idx %arg8[%add3A_251] : memref<512xf32, #tpu.memory_space<vmem>>[vector<16xi32>], vector<16xf32>,
    %add3A_253 = arith.addf %add3A_243, %gather3A_252 : vector<16xf32>
    %add3A_254 = arith.constant 11 : i32
    %add3A_255 = vector.broadcast %add3A_254 : i32 to vector<16xi32>
    %add3A_256 = arith.addi %mul3A_140, %add3A_255 : vector<16xi32>
    %gather3A_257 = tpu.vector_load_idx %arg8[%add3A_256] : memref<512xf32, #tpu.memory_space<vmem>>[vector<16xi32>], vector<16xf32>,
    %add3A_258 = arith.addf %add3A_248, %gather3A_257 : vector<16xf32>
    %add3A_259 = arith.constant 267 : i32
    %add3A_260 = vector.broadcast %add3A_259 : i32 to vector<16xi32>
    %add3A_261 = arith.addi %mul3A_140, %add3A_260 : vector<16xi32>
    %gather3A_262 = tpu.vector_load_idx %arg8[%add3A_261] : memref<512xf32, #tpu.memory_space<vmem>>[vector<16xi32>], vector<16xf32>,
    %add3A_263 = arith.addf %add3A_253, %gather3A_262 : vector<16xf32>
    %add3A_264 = arith.constant 12 : i32
    %add3A_265 = vector.broadcast %add3A_264 : i32 to vector<16xi32>
    %add3A_266 = arith.addi %mul3A_140, %add3A_265 : vector<16xi32>
    %gather3A_267 = tpu.vector_load_idx %arg8[%add3A_266] : memref<512xf32, #tpu.memory_space<vmem>>[vector<16xi32>], vector<16xf32>,
    %add3A_268 = arith.addf %add3A_258, %gather3A_267 : vector<16xf32>
    %add3A_269 = arith.constant 268 : i32
    %add3A_270 = vector.broadcast %add3A_269 : i32 to vector<16xi32>
    %add3A_271 = arith.addi %mul3A_140, %add3A_270 : vector<16xi32>
    %gather3A_272 = tpu.vector_load_idx %arg8[%add3A_271] : memref<512xf32, #tpu.memory_space<vmem>>[vector<16xi32>], vector<16xf32>,
    %add3A_273 = arith.addf %add3A_263, %gather3A_272 : vector<16xf32>
    %add3A_274 = arith.constant 13 : i32
    %add3A_275 = vector.broadcast %add3A_274 : i32 to vector<16xi32>
    %add3A_276 = arith.addi %mul3A_140, %add3A_275 : vector<16xi32>
    %gather3A_277 = tpu.vector_load_idx %arg8[%add3A_276] : memref<512xf32, #tpu.memory_space<vmem>>[vector<16xi32>], vector<16xf32>,
    %add3A_278 = arith.addf %add3A_268, %gather3A_277 : vector<16xf32>
    %add3A_279 = arith.constant 269 : i32
    %add3A_280 = vector.broadcast %add3A_279 : i32 to vector<16xi32>
    %add3A_281 = arith.addi %mul3A_140, %add3A_280 : vector<16xi32>
    %gather3A_282 = tpu.vector_load_idx %arg8[%add3A_281] : memref<512xf32, #tpu.memory_space<vmem>>[vector<16xi32>], vector<16xf32>,
    %add3A_283 = arith.addf %add3A_273, %gather3A_282 : vector<16xf32>
    %add3A_284 = arith.constant 14 : i32
    %add3A_285 = vector.broadcast %add3A_284 : i32 to vector<16xi32>
    %add3A_286 = arith.addi %mul3A_140, %add3A_285 : vector<16xi32>
    %gather3A_287 = tpu.vector_load_idx %arg8[%add3A_286] : memref<512xf32, #tpu.memory_space<vmem>>[vector<16xi32>], vector<16xf32>,
    %add3A_288 = arith.addf %add3A_278, %gather3A_287 : vector<16xf32>
    %add3A_289 = arith.constant 270 : i32
    %add3A_290 = vector.broadcast %add3A_289 : i32 to vector<16xi32>
    %add3A_291 = arith.addi %mul3A_140, %add3A_290 : vector<16xi32>
    %gather3A_292 = tpu.vector_load_idx %arg8[%add3A_291] : memref<512xf32, #tpu.memory_space<vmem>>[vector<16xi32>], vector<16xf32>,
    %add3A_293 = arith.addf %add3A_283, %gather3A_292 : vector<16xf32>
    %add3A_294 = arith.constant 15 : i32
    %add3A_295 = vector.broadcast %add3A_294 : i32 to vector<16xi32>
    %add3A_296 = arith.addi %mul3A_140, %add3A_295 : vector<16xi32>
    %gather3A_297 = tpu.vector_load_idx %arg8[%add3A_296] : memref<512xf32, #tpu.memory_space<vmem>>[vector<16xi32>], vector<16xf32>,
    %add3A_298 = arith.addf %add3A_288, %gather3A_297 : vector<16xf32>
    %add3A_299 = arith.constant 271 : i32
    %add3A_300 = vector.broadcast %add3A_299 : i32 to vector<16xi32>
    %add3A_301 = arith.addi %mul3A_140, %add3A_300 : vector<16xi32>
    %gather3A_302 = tpu.vector_load_idx %arg8[%add3A_301] : memref<512xf32, #tpu.memory_space<vmem>>[vector<16xi32>], vector<16xf32>,
    %add3A_303 = arith.addf %add3A_293, %gather3A_302 : vector<16xf32>
    %iota3A_304 = tpu.iota {dimensions = array<i32: 0>} : vector<16xi32>
    %mul3A_305 = arith.constant 16 : i32
    %mul3A_306 = vector.broadcast %mul3A_305 : i32 to vector<16xi32>
    %mul3A_307 = arith.muli %iota3A_304, %mul3A_306 : vector<16xi32>
    %broadcast_in_dim3A_308 = arith.constant 0 : i32
    %broadcast_in_dim3A_309 = vector.broadcast %broadcast_in_dim3A_308 : i32 to vector<16xi32>
    %broadcast_in_dim3A_310 = arith.constant 0 : i32
    %broadcast_in_dim3A_311 = vector.broadcast %broadcast_in_dim3A_310 : i32 to vector<16xi32>
    %add3A_312 = arith.constant 0 : i32
    %add3A_313 = vector.broadcast %add3A_312 : i32 to vector<16xi32>
    %add3A_314 = arith.addi %mul3A_307, %add3A_313 : vector<16xi32>
    %gather3A_315 = tpu.vector_load_idx %arg9[%add3A_314] : memref<512xi32, #tpu.memory_space<vmem>>[vector<16xi32>], vector<16xi32>,
    %add3A_316 = arith.addi %broadcast_in_dim3A_309, %gather3A_315 : vector<16xi32>
    %add3A_317 = arith.constant 256 : i32
    %add3A_318 = vector.broadcast %add3A_317 : i32 to vector<16xi32>
    %add3A_319 = arith.addi %mul3A_307, %add3A_318 : vector<16xi32>
    %gather3A_320 = tpu.vector_load_idx %arg9[%add3A_319] : memref<512xi32, #tpu.memory_space<vmem>>[vector<16xi32>], vector<16xi32>,
    %add3A_321 = arith.addi %broadcast_in_dim3A_311, %gather3A_320 : vector<16xi32>
    %add3A_322 = arith.constant 1 : i32
    %add3A_323 = vector.broadcast %add3A_322 : i32 to vector<16xi32>
    %add3A_324 = arith.addi %mul3A_307, %add3A_323 : vector<16xi32>
    %gather3A_325 = tpu.vector_load_idx %arg9[%add3A_324] : memref<512xi32, #tpu.memory_space<vmem>>[vector<16xi32>], vector<16xi32>,
    %add3A_326 = arith.addi %add3A_316, %gather3A_325 : vector<16xi32>
    %add3A_327 = arith.constant 257 : i32
    %add3A_328 = vector.broadcast %add3A_327 : i32 to vector<16xi32>
    %add3A_329 = arith.addi %mul3A_307, %add3A_328 : vector<16xi32>
    %gather3A_330 = tpu.vector_load_idx %arg9[%add3A_329] : memref<512xi32, #tpu.memory_space<vmem>>[vector<16xi32>], vector<16xi32>,
    %add3A_331 = arith.addi %add3A_321, %gather3A_330 : vector<16xi32>
    %add3A_332 = arith.constant 2 : i32
    %add3A_333 = vector.broadcast %add3A_332 : i32 to vector<16xi32>
    %add3A_334 = arith.addi %mul3A_307, %add3A_333 : vector<16xi32>
    %gather3A_335 = tpu.vector_load_idx %arg9[%add3A_334] : memref<512xi32, #tpu.memory_space<vmem>>[vector<16xi32>], vector<16xi32>,
    %add3A_336 = arith.addi %add3A_326, %gather3A_335 : vector<16xi32>
    %add3A_337 = arith.constant 258 : i32
    %add3A_338 = vector.broadcast %add3A_337 : i32 to vector<16xi32>
    %add3A_339 = arith.addi %mul3A_307, %add3A_338 : vector<16xi32>
    %gather3A_340 = tpu.vector_load_idx %arg9[%add3A_339] : memref<512xi32, #tpu.memory_space<vmem>>[vector<16xi32>], vector<16xi32>,
    %add3A_341 = arith.addi %add3A_331, %gather3A_340 : vector<16xi32>
    %add3A_342 = arith.constant 3 : i32
    %add3A_343 = vector.broadcast %add3A_342 : i32 to vector<16xi32>
    %add3A_344 = arith.addi %mul3A_307, %add3A_343 : vector<16xi32>
    %gather3A_345 = tpu.vector_load_idx %arg9[%add3A_344] : memref<512xi32, #tpu.memory_space<vmem>>[vector<16xi32>], vector<16xi32>,
    %add3A_346 = arith.addi %add3A_336, %gather3A_345 : vector<16xi32>
    %add3A_347 = arith.constant 259 : i32
    %add3A_348 = vector.broadcast %add3A_347 : i32 to vector<16xi32>
    %add3A_349 = arith.addi %mul3A_307, %add3A_348 : vector<16xi32>
    %gather3A_350 = tpu.vector_load_idx %arg9[%add3A_349] : memref<512xi32, #tpu.memory_space<vmem>>[vector<16xi32>], vector<16xi32>,
    %add3A_351 = arith.addi %add3A_341, %gather3A_350 : vector<16xi32>
    %add3A_352 = arith.constant 4 : i32
    %add3A_353 = vector.broadcast %add3A_352 : i32 to vector<16xi32>
    %add3A_354 = arith.addi %mul3A_307, %add3A_353 : vector<16xi32>
    %gather3A_355 = tpu.vector_load_idx %arg9[%add3A_354] : memref<512xi32, #tpu.memory_space<vmem>>[vector<16xi32>], vector<16xi32>,
    %add3A_356 = arith.addi %add3A_346, %gather3A_355 : vector<16xi32>
    %add3A_357 = arith.constant 260 : i32
    %add3A_358 = vector.broadcast %add3A_357 : i32 to vector<16xi32>
    %add3A_359 = arith.addi %mul3A_307, %add3A_358 : vector<16xi32>
    %gather3A_360 = tpu.vector_load_idx %arg9[%add3A_359] : memref<512xi32, #tpu.memory_space<vmem>>[vector<16xi32>], vector<16xi32>,
    %add3A_361 = arith.addi %add3A_351, %gather3A_360 : vector<16xi32>
    %add3A_362 = arith.constant 5 : i32
    %add3A_363 = vector.broadcast %add3A_362 : i32 to vector<16xi32>
    %add3A_364 = arith.addi %mul3A_307, %add3A_363 : vector<16xi32>
    %gather3A_365 = tpu.vector_load_idx %arg9[%add3A_364] : memref<512xi32, #tpu.memory_space<vmem>>[vector<16xi32>], vector<16xi32>,
    %add3A_366 = arith.addi %add3A_356, %gather3A_365 : vector<16xi32>
    %add3A_367 = arith.constant 261 : i32
    %add3A_368 = vector.broadcast %add3A_367 : i32 to vector<16xi32>
    %add3A_369 = arith.addi %mul3A_307, %add3A_368 : vector<16xi32>
    %gather3A_370 = tpu.vector_load_idx %arg9[%add3A_369] : memref<512xi32, #tpu.memory_space<vmem>>[vector<16xi32>], vector<16xi32>,
    %add3A_371 = arith.addi %add3A_361, %gather3A_370 : vector<16xi32>
    %add3A_372 = arith.constant 6 : i32
    %add3A_373 = vector.broadcast %add3A_372 : i32 to vector<16xi32>
    %add3A_374 = arith.addi %mul3A_307, %add3A_373 : vector<16xi32>
    %gather3A_375 = tpu.vector_load_idx %arg9[%add3A_374] : memref<512xi32, #tpu.memory_space<vmem>>[vector<16xi32>], vector<16xi32>,
    %add3A_376 = arith.addi %add3A_366, %gather3A_375 : vector<16xi32>
    %add3A_377 = arith.constant 262 : i32
    %add3A_378 = vector.broadcast %add3A_377 : i32 to vector<16xi32>
    %add3A_379 = arith.addi %mul3A_307, %add3A_378 : vector<16xi32>
    %gather3A_380 = tpu.vector_load_idx %arg9[%add3A_379] : memref<512xi32, #tpu.memory_space<vmem>>[vector<16xi32>], vector<16xi32>,
    %add3A_381 = arith.addi %add3A_371, %gather3A_380 : vector<16xi32>
    %add3A_382 = arith.constant 7 : i32
    %add3A_383 = vector.broadcast %add3A_382 : i32 to vector<16xi32>
    %add3A_384 = arith.addi %mul3A_307, %add3A_383 : vector<16xi32>
    %gather3A_385 = tpu.vector_load_idx %arg9[%add3A_384] : memref<512xi32, #tpu.memory_space<vmem>>[vector<16xi32>], vector<16xi32>,
    %add3A_386 = arith.addi %add3A_376, %gather3A_385 : vector<16xi32>
    %add3A_387 = arith.constant 263 : i32
    %add3A_388 = vector.broadcast %add3A_387 : i32 to vector<16xi32>
    %add3A_389 = arith.addi %mul3A_307, %add3A_388 : vector<16xi32>
    %gather3A_390 = tpu.vector_load_idx %arg9[%add3A_389] : memref<512xi32, #tpu.memory_space<vmem>>[vector<16xi32>], vector<16xi32>,
    %add3A_391 = arith.addi %add3A_381, %gather3A_390 : vector<16xi32>
    %add3A_392 = arith.constant 8 : i32
    %add3A_393 = vector.broadcast %add3A_392 : i32 to vector<16xi32>
    %add3A_394 = arith.addi %mul3A_307, %add3A_393 : vector<16xi32>
    %gather3A_395 = tpu.vector_load_idx %arg9[%add3A_394] : memref<512xi32, #tpu.memory_space<vmem>>[vector<16xi32>], vector<16xi32>,
    %add3A_396 = arith.addi %add3A_386, %gather3A_395 : vector<16xi32>
    %add3A_397 = arith.constant 264 : i32
    %add3A_398 = vector.broadcast %add3A_397 : i32 to vector<16xi32>
    %add3A_399 = arith.addi %mul3A_307, %add3A_398 : vector<16xi32>
    %gather3A_400 = tpu.vector_load_idx %arg9[%add3A_399] : memref<512xi32, #tpu.memory_space<vmem>>[vector<16xi32>], vector<16xi32>,
    %add3A_401 = arith.addi %add3A_391, %gather3A_400 : vector<16xi32>
    %add3A_402 = arith.constant 9 : i32
    %add3A_403 = vector.broadcast %add3A_402 : i32 to vector<16xi32>
    %add3A_404 = arith.addi %mul3A_307, %add3A_403 : vector<16xi32>
    %gather3A_405 = tpu.vector_load_idx %arg9[%add3A_404] : memref<512xi32, #tpu.memory_space<vmem>>[vector<16xi32>], vector<16xi32>,
    %add3A_406 = arith.addi %add3A_396, %gather3A_405 : vector<16xi32>
    %add3A_407 = arith.constant 265 : i32
    %add3A_408 = vector.broadcast %add3A_407 : i32 to vector<16xi32>
    %add3A_409 = arith.addi %mul3A_307, %add3A_408 : vector<16xi32>
    %gather3A_410 = tpu.vector_load_idx %arg9[%add3A_409] : memref<512xi32, #tpu.memory_space<vmem>>[vector<16xi32>], vector<16xi32>,
    %add3A_411 = arith.addi %add3A_401, %gather3A_410 : vector<16xi32>
    %add3A_412 = arith.constant 10 : i32
    %add3A_413 = vector.broadcast %add3A_412 : i32 to vector<16xi32>
    %add3A_414 = arith.addi %mul3A_307, %add3A_413 : vector<16xi32>
    %gather3A_415 = tpu.vector_load_idx %arg9[%add3A_414] : memref<512xi32, #tpu.memory_space<vmem>>[vector<16xi32>], vector<16xi32>,
    %add3A_416 = arith.addi %add3A_406, %gather3A_415 : vector<16xi32>
    %add3A_417 = arith.constant 266 : i32
    %add3A_418 = vector.broadcast %add3A_417 : i32 to vector<16xi32>
    %add3A_419 = arith.addi %mul3A_307, %add3A_418 : vector<16xi32>
    %gather3A_420 = tpu.vector_load_idx %arg9[%add3A_419] : memref<512xi32, #tpu.memory_space<vmem>>[vector<16xi32>], vector<16xi32>,
    %add3A_421 = arith.addi %add3A_411, %gather3A_420 : vector<16xi32>
    %add3A_422 = arith.constant 11 : i32
    %add3A_423 = vector.broadcast %add3A_422 : i32 to vector<16xi32>
    %add3A_424 = arith.addi %mul3A_307, %add3A_423 : vector<16xi32>
    %gather3A_425 = tpu.vector_load_idx %arg9[%add3A_424] : memref<512xi32, #tpu.memory_space<vmem>>[vector<16xi32>], vector<16xi32>,
    %add3A_426 = arith.addi %add3A_416, %gather3A_425 : vector<16xi32>
    %add3A_427 = arith.constant 267 : i32
    %add3A_428 = vector.broadcast %add3A_427 : i32 to vector<16xi32>
    %add3A_429 = arith.addi %mul3A_307, %add3A_428 : vector<16xi32>
    %gather3A_430 = tpu.vector_load_idx %arg9[%add3A_429] : memref<512xi32, #tpu.memory_space<vmem>>[vector<16xi32>], vector<16xi32>,
    %add3A_431 = arith.addi %add3A_421, %gather3A_430 : vector<16xi32>
    %add3A_432 = arith.constant 12 : i32
    %add3A_433 = vector.broadcast %add3A_432 : i32 to vector<16xi32>
    %add3A_434 = arith.addi %mul3A_307, %add3A_433 : vector<16xi32>
    %gather3A_435 = tpu.vector_load_idx %arg9[%add3A_434] : memref<512xi32, #tpu.memory_space<vmem>>[vector<16xi32>], vector<16xi32>,
    %add3A_436 = arith.addi %add3A_426, %gather3A_435 : vector<16xi32>
    %add3A_437 = arith.constant 268 : i32
    %add3A_438 = vector.broadcast %add3A_437 : i32 to vector<16xi32>
    %add3A_439 = arith.addi %mul3A_307, %add3A_438 : vector<16xi32>
    %gather3A_440 = tpu.vector_load_idx %arg9[%add3A_439] : memref<512xi32, #tpu.memory_space<vmem>>[vector<16xi32>], vector<16xi32>,
    %add3A_441 = arith.addi %add3A_431, %gather3A_440 : vector<16xi32>
    %add3A_442 = arith.constant 13 : i32
    %add3A_443 = vector.broadcast %add3A_442 : i32 to vector<16xi32>
    %add3A_444 = arith.addi %mul3A_307, %add3A_443 : vector<16xi32>
    %gather3A_445 = tpu.vector_load_idx %arg9[%add3A_444] : memref<512xi32, #tpu.memory_space<vmem>>[vector<16xi32>], vector<16xi32>,
    %add3A_446 = arith.addi %add3A_436, %gather3A_445 : vector<16xi32>
    %add3A_447 = arith.constant 269 : i32
    %add3A_448 = vector.broadcast %add3A_447 : i32 to vector<16xi32>
    %add3A_449 = arith.addi %mul3A_307, %add3A_448 : vector<16xi32>
    %gather3A_450 = tpu.vector_load_idx %arg9[%add3A_449] : memref<512xi32, #tpu.memory_space<vmem>>[vector<16xi32>], vector<16xi32>,
    %add3A_451 = arith.addi %add3A_441, %gather3A_450 : vector<16xi32>
    %add3A_452 = arith.constant 14 : i32
    %add3A_453 = vector.broadcast %add3A_452 : i32 to vector<16xi32>
    %add3A_454 = arith.addi %mul3A_307, %add3A_453 : vector<16xi32>
    %gather3A_455 = tpu.vector_load_idx %arg9[%add3A_454] : memref<512xi32, #tpu.memory_space<vmem>>[vector<16xi32>], vector<16xi32>,
    %add3A_456 = arith.addi %add3A_446, %gather3A_455 : vector<16xi32>
    %add3A_457 = arith.constant 270 : i32
    %add3A_458 = vector.broadcast %add3A_457 : i32 to vector<16xi32>
    %add3A_459 = arith.addi %mul3A_307, %add3A_458 : vector<16xi32>
    %gather3A_460 = tpu.vector_load_idx %arg9[%add3A_459] : memref<512xi32, #tpu.memory_space<vmem>>[vector<16xi32>], vector<16xi32>,
    %add3A_461 = arith.addi %add3A_451, %gather3A_460 : vector<16xi32>
    %add3A_462 = arith.constant 15 : i32
    %add3A_463 = vector.broadcast %add3A_462 : i32 to vector<16xi32>
    %add3A_464 = arith.addi %mul3A_307, %add3A_463 : vector<16xi32>
    %gather3A_465 = tpu.vector_load_idx %arg9[%add3A_464] : memref<512xi32, #tpu.memory_space<vmem>>[vector<16xi32>], vector<16xi32>,
    %add3A_466 = arith.addi %add3A_456, %gather3A_465 : vector<16xi32>
    %add3A_467 = arith.constant 271 : i32
    %add3A_468 = vector.broadcast %add3A_467 : i32 to vector<16xi32>
    %add3A_469 = arith.addi %mul3A_307, %add3A_468 : vector<16xi32>
    %gather3A_470 = tpu.vector_load_idx %arg9[%add3A_469] : memref<512xi32, #tpu.memory_space<vmem>>[vector<16xi32>], vector<16xi32>,
    %add3A_471 = arith.addi %add3A_461, %gather3A_470 : vector<16xi32>
    %swap3A_472 = arith.constant 0 : index
    %swap3A_473 = tpu.vector_load %arg10[%swap3A_472] {strides = array<i32>} : memref<32xf32, #tpu.memory_space<vmem>>, vector<16xf32>,
    tpu.vector_store %arg10[%swap3A_472], %add3A_298 {strides = array<i32>} : memref<32xf32, #tpu.memory_space<vmem>>, vector<16xf32>,
    %swap3A_474 = arith.constant 16 : index
    %swap3A_475 = tpu.vector_load %arg10[%swap3A_474] {strides = array<i32>} : memref<32xf32, #tpu.memory_space<vmem>>, vector<16xf32>,
    tpu.vector_store %arg10[%swap3A_474], %add3A_303 {strides = array<i32>} : memref<32xf32, #tpu.memory_space<vmem>>, vector<16xf32>,
    %swap3A_476 = arith.constant 0 : index
    %swap3A_477 = tpu.vector_load %arg11[%swap3A_476] {strides = array<i32>} : memref<32xi32, #tpu.memory_space<vmem>>, vector<16xi32>,
    tpu.vector_store %arg11[%swap3A_476], %add3A_466 {strides = array<i32>} : memref<32xi32, #tpu.memory_space<vmem>>, vector<16xi32>,
    %swap3A_478 = arith.constant 16 : index
    %swap3A_479 = tpu.vector_load %arg11[%swap3A_478] {strides = array<i32>} : memref<32xi32, #tpu.memory_space<vmem>>, vector<16xi32>,
    tpu.vector_store %arg11[%swap3A_478], %add3A_471 {strides = array<i32>} : memref<32xi32, #tpu.memory_space<vmem>>, vector<16xi32>,
    %mul3A_480 = arith.constant 32 : i32
    %mul3A_481 = arith.muli %arg1, %mul3A_480 : i32
    "tpu.region"() ({
      %run_scoped3A = tpu.sem_alloc : memref<!tpu.dma_semaphore, #tpu.memory_space<semaphore_mem>>
      %dma_start3A = tpu.memref_slice %arg12[%mul3A_481] : memref<512xf32, #tpu.memory_space<vmem_shared>> -> memref<32xf32, #tpu.memory_space<vmem_shared>>
      %dma_start3A_486 = tpu.memref_slice %arg12[%mul3A_481] : memref<512xf32, #tpu.memory_space<vmem_shared>> -> memref<32xf32, #tpu.memory_space<vmem_shared>>
      tpu.enqueue_dma source(%arg10 : memref<32xf32, #tpu.memory_space<vmem>>) target(%dma_start3A_486 : memref<32xf32, #tpu.memory_space<vmem_shared>>) target_semaphore(%run_scoped3A : memref<!tpu.dma_semaphore, #tpu.memory_space<semaphore_mem>>)
      %dma_wait3A = tpu.memref_slice %arg12[%mul3A_481] : memref<512xf32, #tpu.memory_space<vmem_shared>> -> memref<32xf32, #tpu.memory_space<vmem_shared>>
      %dma_wait3A_487 = tpu.memref_slice %arg12[%mul3A_481] : memref<512xf32, #tpu.memory_space<vmem_shared>> -> memref<32xf32, #tpu.memory_space<vmem_shared>>
      tpu.wait_dma2 semaphore(%run_scoped3A : memref<!tpu.dma_semaphore, #tpu.memory_space<semaphore_mem>>) src(%arg10 : memref<32xf32, #tpu.memory_space<vmem>>) dst(%dma_wait3A_487 : memref<32xf32, #tpu.memory_space<vmem_shared>>)
      tpu.yield
    }) : () -> ()
    %mul3A_482 = arith.constant 32 : i32
    %mul3A_483 = arith.muli %arg1, %mul3A_482 : i32
    "tpu.region"() ({
      %run_scoped3A = tpu.sem_alloc : memref<!tpu.dma_semaphore, #tpu.memory_space<semaphore_mem>>
      %dma_start3A = tpu.memref_slice %arg13[%mul3A_483] : memref<512xi32, #tpu.memory_space<vmem_shared>> -> memref<32xi32, #tpu.memory_space<vmem_shared>>
      %dma_start3A_486 = tpu.memref_slice %arg13[%mul3A_483] : memref<512xi32, #tpu.memory_space<vmem_shared>> -> memref<32xi32, #tpu.memory_space<vmem_shared>>
      tpu.enqueue_dma source(%arg11 : memref<32xi32, #tpu.memory_space<vmem>>) target(%dma_start3A_486 : memref<32xi32, #tpu.memory_space<vmem_shared>>) target_semaphore(%run_scoped3A : memref<!tpu.dma_semaphore, #tpu.memory_space<semaphore_mem>>)
      %dma_wait3A = tpu.memref_slice %arg13[%mul3A_483] : memref<512xi32, #tpu.memory_space<vmem_shared>> -> memref<32xi32, #tpu.memory_space<vmem_shared>>
      %dma_wait3A_487 = tpu.memref_slice %arg13[%mul3A_483] : memref<512xi32, #tpu.memory_space<vmem_shared>> -> memref<32xi32, #tpu.memory_space<vmem_shared>>
      tpu.wait_dma2 semaphore(%run_scoped3A : memref<!tpu.dma_semaphore, #tpu.memory_space<semaphore_mem>>) src(%arg11 : memref<32xi32, #tpu.memory_space<vmem>>) dst(%dma_wait3A_487 : memref<32xi32, #tpu.memory_space<vmem_shared>>)
      tpu.yield
    }) : () -> ()
    %barrier3A = arith.constant 0 : index
    tpu.barrier barrier_id(%barrier3A)
    %eq3A = arith.constant 0 : i32
    %eq3A_484 = arith.cmpi eq, %arg1, %eq3A : i32
    %convert_element_type3A = arith.extui %eq3A_484 : i1 to i32
    %cond3A = arith.constant 0 : i32
    %cond3A_485 = arith.cmpi ne, %convert_element_type3A, %cond3A : i32
    scf.if %cond3A_485 {
      "tpu.region"() ({
        %run_scoped3A = tpu.sem_alloc : memref<!tpu.dma_semaphore, #tpu.memory_space<semaphore_mem>>
        tpu.enqueue_dma source(%arg12 : memref<512xf32, #tpu.memory_space<vmem_shared>>) target(%arg14 : memref<512xf32, #tpu.memory_space<vmem>>) target_semaphore(%run_scoped3A : memref<!tpu.dma_semaphore, #tpu.memory_space<semaphore_mem>>)
        tpu.wait_dma2 semaphore(%run_scoped3A : memref<!tpu.dma_semaphore, #tpu.memory_space<semaphore_mem>>) src(%arg12 : memref<512xf32, #tpu.memory_space<vmem_shared>>) dst(%arg14 : memref<512xf32, #tpu.memory_space<vmem>>)
        tpu.yield
      }) : () -> ()
      "tpu.region"() ({
        %run_scoped3A = tpu.sem_alloc : memref<!tpu.dma_semaphore, #tpu.memory_space<semaphore_mem>>
        tpu.enqueue_dma source(%arg13 : memref<512xi32, #tpu.memory_space<vmem_shared>>) target(%arg15 : memref<512xi32, #tpu.memory_space<vmem>>) target_semaphore(%run_scoped3A : memref<!tpu.dma_semaphore, #tpu.memory_space<semaphore_mem>>)
        tpu.wait_dma2 semaphore(%run_scoped3A : memref<!tpu.dma_semaphore, #tpu.memory_space<semaphore_mem>>) src(%arg13 : memref<512xi32, #tpu.memory_space<vmem_shared>>) dst(%arg15 : memref<512xi32, #tpu.memory_space<vmem>>)
        tpu.yield
      }) : () -> ()
      %broadcast_in_dim3A_486 = arith.constant 0.000000e+00 : f32
      %broadcast_in_dim3A_487 = vector.broadcast %broadcast_in_dim3A_486 : f32 to vector<16xf32>
      %broadcast_in_dim3A_488 = arith.constant 0.000000e+00 : f32
      %broadcast_in_dim3A_489 = vector.broadcast %broadcast_in_dim3A_488 : f32 to vector<16xf32>
      %get3A = arith.constant 0 : index
      %get3A_490 = tpu.vector_load %arg14[%get3A] {strides = array<i32>} : memref<512xf32, #tpu.memory_space<vmem>>, vector<16xf32>,
      %add3A_491 = arith.addf %broadcast_in_dim3A_487, %get3A_490 : vector<16xf32>
      %get3A_492 = arith.constant 16 : index
      %get3A_493 = tpu.vector_load %arg14[%get3A_492] {strides = array<i32>} : memref<512xf32, #tpu.memory_space<vmem>>, vector<16xf32>,
      %add3A_494 = arith.addf %broadcast_in_dim3A_489, %get3A_493 : vector<16xf32>
      %get3A_495 = arith.constant 32 : index
      %get3A_496 = tpu.vector_load %arg14[%get3A_495] {strides = array<i32>} : memref<512xf32, #tpu.memory_space<vmem>>, vector<16xf32>,
      %add3A_497 = arith.addf %add3A_491, %get3A_496 : vector<16xf32>
      %get3A_498 = arith.constant 48 : index
      %get3A_499 = tpu.vector_load %arg14[%get3A_498] {strides = array<i32>} : memref<512xf32, #tpu.memory_space<vmem>>, vector<16xf32>,
      %add3A_500 = arith.addf %add3A_494, %get3A_499 : vector<16xf32>
      %get3A_501 = arith.constant 64 : index
      %get3A_502 = tpu.vector_load %arg14[%get3A_501] {strides = array<i32>} : memref<512xf32, #tpu.memory_space<vmem>>, vector<16xf32>,
      %add3A_503 = arith.addf %add3A_497, %get3A_502 : vector<16xf32>
      %get3A_504 = arith.constant 80 : index
      %get3A_505 = tpu.vector_load %arg14[%get3A_504] {strides = array<i32>} : memref<512xf32, #tpu.memory_space<vmem>>, vector<16xf32>,
      %add3A_506 = arith.addf %add3A_500, %get3A_505 : vector<16xf32>
      %get3A_507 = arith.constant 96 : index
      %get3A_508 = tpu.vector_load %arg14[%get3A_507] {strides = array<i32>} : memref<512xf32, #tpu.memory_space<vmem>>, vector<16xf32>,
      %add3A_509 = arith.addf %add3A_503, %get3A_508 : vector<16xf32>
      %get3A_510 = arith.constant 112 : index
      %get3A_511 = tpu.vector_load %arg14[%get3A_510] {strides = array<i32>} : memref<512xf32, #tpu.memory_space<vmem>>, vector<16xf32>,
      %add3A_512 = arith.addf %add3A_506, %get3A_511 : vector<16xf32>
      %get3A_513 = arith.constant 128 : index
      %get3A_514 = tpu.vector_load %arg14[%get3A_513] {strides = array<i32>} : memref<512xf32, #tpu.memory_space<vmem>>, vector<16xf32>,
      %add3A_515 = arith.addf %add3A_509, %get3A_514 : vector<16xf32>
      %get3A_516 = arith.constant 144 : index
      %get3A_517 = tpu.vector_load %arg14[%get3A_516] {strides = array<i32>} : memref<512xf32, #tpu.memory_space<vmem>>, vector<16xf32>,
      %add3A_518 = arith.addf %add3A_512, %get3A_517 : vector<16xf32>
      %get3A_519 = arith.constant 160 : index
      %get3A_520 = tpu.vector_load %arg14[%get3A_519] {strides = array<i32>} : memref<512xf32, #tpu.memory_space<vmem>>, vector<16xf32>,
      %add3A_521 = arith.addf %add3A_515, %get3A_520 : vector<16xf32>
      %get3A_522 = arith.constant 176 : index
      %get3A_523 = tpu.vector_load %arg14[%get3A_522] {strides = array<i32>} : memref<512xf32, #tpu.memory_space<vmem>>, vector<16xf32>,
      %add3A_524 = arith.addf %add3A_518, %get3A_523 : vector<16xf32>
      %get3A_525 = arith.constant 192 : index
      %get3A_526 = tpu.vector_load %arg14[%get3A_525] {strides = array<i32>} : memref<512xf32, #tpu.memory_space<vmem>>, vector<16xf32>,
      %add3A_527 = arith.addf %add3A_521, %get3A_526 : vector<16xf32>
      %get3A_528 = arith.constant 208 : index
      %get3A_529 = tpu.vector_load %arg14[%get3A_528] {strides = array<i32>} : memref<512xf32, #tpu.memory_space<vmem>>, vector<16xf32>,
      %add3A_530 = arith.addf %add3A_524, %get3A_529 : vector<16xf32>
      %get3A_531 = arith.constant 224 : index
      %get3A_532 = tpu.vector_load %arg14[%get3A_531] {strides = array<i32>} : memref<512xf32, #tpu.memory_space<vmem>>, vector<16xf32>,
      %add3A_533 = arith.addf %add3A_527, %get3A_532 : vector<16xf32>
      %get3A_534 = arith.constant 240 : index
      %get3A_535 = tpu.vector_load %arg14[%get3A_534] {strides = array<i32>} : memref<512xf32, #tpu.memory_space<vmem>>, vector<16xf32>,
      %add3A_536 = arith.addf %add3A_530, %get3A_535 : vector<16xf32>
      %get3A_537 = arith.constant 256 : index
      %get3A_538 = tpu.vector_load %arg14[%get3A_537] {strides = array<i32>} : memref<512xf32, #tpu.memory_space<vmem>>, vector<16xf32>,
      %add3A_539 = arith.addf %add3A_533, %get3A_538 : vector<16xf32>
      %get3A_540 = arith.constant 272 : index
      %get3A_541 = tpu.vector_load %arg14[%get3A_540] {strides = array<i32>} : memref<512xf32, #tpu.memory_space<vmem>>, vector<16xf32>,
      %add3A_542 = arith.addf %add3A_536, %get3A_541 : vector<16xf32>
      %get3A_543 = arith.constant 288 : index
      %get3A_544 = tpu.vector_load %arg14[%get3A_543] {strides = array<i32>} : memref<512xf32, #tpu.memory_space<vmem>>, vector<16xf32>,
      %add3A_545 = arith.addf %add3A_539, %get3A_544 : vector<16xf32>
      %get3A_546 = arith.constant 304 : index
      %get3A_547 = tpu.vector_load %arg14[%get3A_546] {strides = array<i32>} : memref<512xf32, #tpu.memory_space<vmem>>, vector<16xf32>,
      %add3A_548 = arith.addf %add3A_542, %get3A_547 : vector<16xf32>
      %get3A_549 = arith.constant 320 : index
      %get3A_550 = tpu.vector_load %arg14[%get3A_549] {strides = array<i32>} : memref<512xf32, #tpu.memory_space<vmem>>, vector<16xf32>,
      %add3A_551 = arith.addf %add3A_545, %get3A_550 : vector<16xf32>
      %get3A_552 = arith.constant 336 : index
      %get3A_553 = tpu.vector_load %arg14[%get3A_552] {strides = array<i32>} : memref<512xf32, #tpu.memory_space<vmem>>, vector<16xf32>,
      %add3A_554 = arith.addf %add3A_548, %get3A_553 : vector<16xf32>
      %get3A_555 = arith.constant 352 : index
      %get3A_556 = tpu.vector_load %arg14[%get3A_555] {strides = array<i32>} : memref<512xf32, #tpu.memory_space<vmem>>, vector<16xf32>,
      %add3A_557 = arith.addf %add3A_551, %get3A_556 : vector<16xf32>
      %get3A_558 = arith.constant 368 : index
      %get3A_559 = tpu.vector_load %arg14[%get3A_558] {strides = array<i32>} : memref<512xf32, #tpu.memory_space<vmem>>, vector<16xf32>,
      %add3A_560 = arith.addf %add3A_554, %get3A_559 : vector<16xf32>
      %get3A_561 = arith.constant 384 : index
      %get3A_562 = tpu.vector_load %arg14[%get3A_561] {strides = array<i32>} : memref<512xf32, #tpu.memory_space<vmem>>, vector<16xf32>,
      %add3A_563 = arith.addf %add3A_557, %get3A_562 : vector<16xf32>
      %get3A_564 = arith.constant 400 : index
      %get3A_565 = tpu.vector_load %arg14[%get3A_564] {strides = array<i32>} : memref<512xf32, #tpu.memory_space<vmem>>, vector<16xf32>,
      %add3A_566 = arith.addf %add3A_560, %get3A_565 : vector<16xf32>
      %get3A_567 = arith.constant 416 : index
      %get3A_568 = tpu.vector_load %arg14[%get3A_567] {strides = array<i32>} : memref<512xf32, #tpu.memory_space<vmem>>, vector<16xf32>,
      %add3A_569 = arith.addf %add3A_563, %get3A_568 : vector<16xf32>
      %get3A_570 = arith.constant 432 : index
      %get3A_571 = tpu.vector_load %arg14[%get3A_570] {strides = array<i32>} : memref<512xf32, #tpu.memory_space<vmem>>, vector<16xf32>,
      %add3A_572 = arith.addf %add3A_566, %get3A_571 : vector<16xf32>
      %get3A_573 = arith.constant 448 : index
      %get3A_574 = tpu.vector_load %arg14[%get3A_573] {strides = array<i32>} : memref<512xf32, #tpu.memory_space<vmem>>, vector<16xf32>,
      %add3A_575 = arith.addf %add3A_569, %get3A_574 : vector<16xf32>
      %get3A_576 = arith.constant 464 : index
      %get3A_577 = tpu.vector_load %arg14[%get3A_576] {strides = array<i32>} : memref<512xf32, #tpu.memory_space<vmem>>, vector<16xf32>,
      %add3A_578 = arith.addf %add3A_572, %get3A_577 : vector<16xf32>
      %get3A_579 = arith.constant 480 : index
      %get3A_580 = tpu.vector_load %arg14[%get3A_579] {strides = array<i32>} : memref<512xf32, #tpu.memory_space<vmem>>, vector<16xf32>,
      %add3A_581 = arith.addf %add3A_575, %get3A_580 : vector<16xf32>
      %get3A_582 = arith.constant 496 : index
      %get3A_583 = tpu.vector_load %arg14[%get3A_582] {strides = array<i32>} : memref<512xf32, #tpu.memory_space<vmem>>, vector<16xf32>,
      %add3A_584 = arith.addf %add3A_578, %get3A_583 : vector<16xf32>
      %broadcast_in_dim3A_585 = arith.constant 0 : i32
      %broadcast_in_dim3A_586 = vector.broadcast %broadcast_in_dim3A_585 : i32 to vector<16xi32>
      %broadcast_in_dim3A_587 = arith.constant 0 : i32
      %broadcast_in_dim3A_588 = vector.broadcast %broadcast_in_dim3A_587 : i32 to vector<16xi32>
      %get3A_589 = arith.constant 0 : index
      %get3A_590 = tpu.vector_load %arg15[%get3A_589] {strides = array<i32>} : memref<512xi32, #tpu.memory_space<vmem>>, vector<16xi32>,
      %add3A_591 = arith.addi %broadcast_in_dim3A_586, %get3A_590 : vector<16xi32>
      %get3A_592 = arith.constant 16 : index
      %get3A_593 = tpu.vector_load %arg15[%get3A_592] {strides = array<i32>} : memref<512xi32, #tpu.memory_space<vmem>>, vector<16xi32>,
      %add3A_594 = arith.addi %broadcast_in_dim3A_588, %get3A_593 : vector<16xi32>
      %get3A_595 = arith.constant 32 : index
      %get3A_596 = tpu.vector_load %arg15[%get3A_595] {strides = array<i32>} : memref<512xi32, #tpu.memory_space<vmem>>, vector<16xi32>,
      %add3A_597 = arith.addi %add3A_591, %get3A_596 : vector<16xi32>
      %get3A_598 = arith.constant 48 : index
      %get3A_599 = tpu.vector_load %arg15[%get3A_598] {strides = array<i32>} : memref<512xi32, #tpu.memory_space<vmem>>, vector<16xi32>,
      %add3A_600 = arith.addi %add3A_594, %get3A_599 : vector<16xi32>
      %get3A_601 = arith.constant 64 : index
      %get3A_602 = tpu.vector_load %arg15[%get3A_601] {strides = array<i32>} : memref<512xi32, #tpu.memory_space<vmem>>, vector<16xi32>,
      %add3A_603 = arith.addi %add3A_597, %get3A_602 : vector<16xi32>
      %get3A_604 = arith.constant 80 : index
      %get3A_605 = tpu.vector_load %arg15[%get3A_604] {strides = array<i32>} : memref<512xi32, #tpu.memory_space<vmem>>, vector<16xi32>,
      %add3A_606 = arith.addi %add3A_600, %get3A_605 : vector<16xi32>
      %get3A_607 = arith.constant 96 : index
      %get3A_608 = tpu.vector_load %arg15[%get3A_607] {strides = array<i32>} : memref<512xi32, #tpu.memory_space<vmem>>, vector<16xi32>,
      %add3A_609 = arith.addi %add3A_603, %get3A_608 : vector<16xi32>
      %get3A_610 = arith.constant 112 : index
      %get3A_611 = tpu.vector_load %arg15[%get3A_610] {strides = array<i32>} : memref<512xi32, #tpu.memory_space<vmem>>, vector<16xi32>,
      %add3A_612 = arith.addi %add3A_606, %get3A_611 : vector<16xi32>
      %get3A_613 = arith.constant 128 : index
      %get3A_614 = tpu.vector_load %arg15[%get3A_613] {strides = array<i32>} : memref<512xi32, #tpu.memory_space<vmem>>, vector<16xi32>,
      %add3A_615 = arith.addi %add3A_609, %get3A_614 : vector<16xi32>
      %get3A_616 = arith.constant 144 : index
      %get3A_617 = tpu.vector_load %arg15[%get3A_616] {strides = array<i32>} : memref<512xi32, #tpu.memory_space<vmem>>, vector<16xi32>,
      %add3A_618 = arith.addi %add3A_612, %get3A_617 : vector<16xi32>
      %get3A_619 = arith.constant 160 : index
      %get3A_620 = tpu.vector_load %arg15[%get3A_619] {strides = array<i32>} : memref<512xi32, #tpu.memory_space<vmem>>, vector<16xi32>,
      %add3A_621 = arith.addi %add3A_615, %get3A_620 : vector<16xi32>
      %get3A_622 = arith.constant 176 : index
      %get3A_623 = tpu.vector_load %arg15[%get3A_622] {strides = array<i32>} : memref<512xi32, #tpu.memory_space<vmem>>, vector<16xi32>,
      %add3A_624 = arith.addi %add3A_618, %get3A_623 : vector<16xi32>
      %get3A_625 = arith.constant 192 : index
      %get3A_626 = tpu.vector_load %arg15[%get3A_625] {strides = array<i32>} : memref<512xi32, #tpu.memory_space<vmem>>, vector<16xi32>,
      %add3A_627 = arith.addi %add3A_621, %get3A_626 : vector<16xi32>
      %get3A_628 = arith.constant 208 : index
      %get3A_629 = tpu.vector_load %arg15[%get3A_628] {strides = array<i32>} : memref<512xi32, #tpu.memory_space<vmem>>, vector<16xi32>,
      %add3A_630 = arith.addi %add3A_624, %get3A_629 : vector<16xi32>
      %get3A_631 = arith.constant 224 : index
      %get3A_632 = tpu.vector_load %arg15[%get3A_631] {strides = array<i32>} : memref<512xi32, #tpu.memory_space<vmem>>, vector<16xi32>,
      %add3A_633 = arith.addi %add3A_627, %get3A_632 : vector<16xi32>
      %get3A_634 = arith.constant 240 : index
      %get3A_635 = tpu.vector_load %arg15[%get3A_634] {strides = array<i32>} : memref<512xi32, #tpu.memory_space<vmem>>, vector<16xi32>,
      %add3A_636 = arith.addi %add3A_630, %get3A_635 : vector<16xi32>
      %get3A_637 = arith.constant 256 : index
      %get3A_638 = tpu.vector_load %arg15[%get3A_637] {strides = array<i32>} : memref<512xi32, #tpu.memory_space<vmem>>, vector<16xi32>,
      %add3A_639 = arith.addi %add3A_633, %get3A_638 : vector<16xi32>
      %get3A_640 = arith.constant 272 : index
      %get3A_641 = tpu.vector_load %arg15[%get3A_640] {strides = array<i32>} : memref<512xi32, #tpu.memory_space<vmem>>, vector<16xi32>,
      %add3A_642 = arith.addi %add3A_636, %get3A_641 : vector<16xi32>
      %get3A_643 = arith.constant 288 : index
      %get3A_644 = tpu.vector_load %arg15[%get3A_643] {strides = array<i32>} : memref<512xi32, #tpu.memory_space<vmem>>, vector<16xi32>,
      %add3A_645 = arith.addi %add3A_639, %get3A_644 : vector<16xi32>
      %get3A_646 = arith.constant 304 : index
      %get3A_647 = tpu.vector_load %arg15[%get3A_646] {strides = array<i32>} : memref<512xi32, #tpu.memory_space<vmem>>, vector<16xi32>,
      %add3A_648 = arith.addi %add3A_642, %get3A_647 : vector<16xi32>
      %get3A_649 = arith.constant 320 : index
      %get3A_650 = tpu.vector_load %arg15[%get3A_649] {strides = array<i32>} : memref<512xi32, #tpu.memory_space<vmem>>, vector<16xi32>,
      %add3A_651 = arith.addi %add3A_645, %get3A_650 : vector<16xi32>
      %get3A_652 = arith.constant 336 : index
      %get3A_653 = tpu.vector_load %arg15[%get3A_652] {strides = array<i32>} : memref<512xi32, #tpu.memory_space<vmem>>, vector<16xi32>,
      %add3A_654 = arith.addi %add3A_648, %get3A_653 : vector<16xi32>
      %get3A_655 = arith.constant 352 : index
      %get3A_656 = tpu.vector_load %arg15[%get3A_655] {strides = array<i32>} : memref<512xi32, #tpu.memory_space<vmem>>, vector<16xi32>,
      %add3A_657 = arith.addi %add3A_651, %get3A_656 : vector<16xi32>
      %get3A_658 = arith.constant 368 : index
      %get3A_659 = tpu.vector_load %arg15[%get3A_658] {strides = array<i32>} : memref<512xi32, #tpu.memory_space<vmem>>, vector<16xi32>,
      %add3A_660 = arith.addi %add3A_654, %get3A_659 : vector<16xi32>
      %get3A_661 = arith.constant 384 : index
      %get3A_662 = tpu.vector_load %arg15[%get3A_661] {strides = array<i32>} : memref<512xi32, #tpu.memory_space<vmem>>, vector<16xi32>,
      %add3A_663 = arith.addi %add3A_657, %get3A_662 : vector<16xi32>
      %get3A_664 = arith.constant 400 : index
      %get3A_665 = tpu.vector_load %arg15[%get3A_664] {strides = array<i32>} : memref<512xi32, #tpu.memory_space<vmem>>, vector<16xi32>,
      %add3A_666 = arith.addi %add3A_660, %get3A_665 : vector<16xi32>
      %get3A_667 = arith.constant 416 : index
      %get3A_668 = tpu.vector_load %arg15[%get3A_667] {strides = array<i32>} : memref<512xi32, #tpu.memory_space<vmem>>, vector<16xi32>,
      %add3A_669 = arith.addi %add3A_663, %get3A_668 : vector<16xi32>
      %get3A_670 = arith.constant 432 : index
      %get3A_671 = tpu.vector_load %arg15[%get3A_670] {strides = array<i32>} : memref<512xi32, #tpu.memory_space<vmem>>, vector<16xi32>,
      %add3A_672 = arith.addi %add3A_666, %get3A_671 : vector<16xi32>
      %get3A_673 = arith.constant 448 : index
      %get3A_674 = tpu.vector_load %arg15[%get3A_673] {strides = array<i32>} : memref<512xi32, #tpu.memory_space<vmem>>, vector<16xi32>,
      %add3A_675 = arith.addi %add3A_669, %get3A_674 : vector<16xi32>
      %get3A_676 = arith.constant 464 : index
      %get3A_677 = tpu.vector_load %arg15[%get3A_676] {strides = array<i32>} : memref<512xi32, #tpu.memory_space<vmem>>, vector<16xi32>,
      %add3A_678 = arith.addi %add3A_672, %get3A_677 : vector<16xi32>
      %get3A_679 = arith.constant 480 : index
      %get3A_680 = tpu.vector_load %arg15[%get3A_679] {strides = array<i32>} : memref<512xi32, #tpu.memory_space<vmem>>, vector<16xi32>,
      %add3A_681 = arith.addi %add3A_675, %get3A_680 : vector<16xi32>
      %get3A_682 = arith.constant 496 : index
      %get3A_683 = tpu.vector_load %arg15[%get3A_682] {strides = array<i32>} : memref<512xi32, #tpu.memory_space<vmem>>, vector<16xi32>,
      %add3A_684 = arith.addi %add3A_678, %get3A_683 : vector<16xi32>
      %swap3A_685 = arith.constant 0 : index
      %swap3A_686 = tpu.vector_load %arg10[%swap3A_685] {strides = array<i32>} : memref<32xf32, #tpu.memory_space<vmem>>, vector<16xf32>,
      tpu.vector_store %arg10[%swap3A_685], %add3A_581 {strides = array<i32>} : memref<32xf32, #tpu.memory_space<vmem>>, vector<16xf32>,
      %swap3A_687 = arith.constant 16 : index
      %swap3A_688 = tpu.vector_load %arg10[%swap3A_687] {strides = array<i32>} : memref<32xf32, #tpu.memory_space<vmem>>, vector<16xf32>,
      tpu.vector_store %arg10[%swap3A_687], %add3A_584 {strides = array<i32>} : memref<32xf32, #tpu.memory_space<vmem>>, vector<16xf32>,
      %swap3A_689 = arith.constant 0 : index
      %swap3A_690 = tpu.vector_load %arg11[%swap3A_689] {strides = array<i32>} : memref<32xi32, #tpu.memory_space<vmem>>, vector<16xi32>,
      tpu.vector_store %arg11[%swap3A_689], %add3A_681 {strides = array<i32>} : memref<32xi32, #tpu.memory_space<vmem>>, vector<16xi32>,
      %swap3A_691 = arith.constant 16 : index
      %swap3A_692 = tpu.vector_load %arg11[%swap3A_691] {strides = array<i32>} : memref<32xi32, #tpu.memory_space<vmem>>, vector<16xi32>,
      tpu.vector_store %arg11[%swap3A_691], %add3A_684 {strides = array<i32>} : memref<32xi32, #tpu.memory_space<vmem>>, vector<16xi32>,
      "tpu.region"() ({
        %run_scoped3A = tpu.sem_alloc : memref<!tpu.dma_semaphore, #tpu.memory_space<semaphore_mem>>
        %dma_start3A = arith.constant 0 : i32
        %dma_start3A_693 = tpu.memref_slice %arg4[%arg0, %dma_start3A] : memref<2x32xf32, #tpu.memory_space<hbm>> -> memref<1x32xf32, #tpu.memory_space<hbm>>
        %dma_start3A_694 = tpu.memref_squeeze %dma_start3A_693 : memref<1x32xf32, #tpu.memory_space<hbm>> -> memref<32xf32, #tpu.memory_space<hbm>>
        %dma_start3A_695 = arith.constant 0 : i32
        %dma_start3A_696 = tpu.memref_slice %arg4[%arg0, %dma_start3A_695] : memref<2x32xf32, #tpu.memory_space<hbm>> -> memref<1x32xf32, #tpu.memory_space<hbm>>
        %dma_start3A_697 = tpu.memref_squeeze %dma_start3A_696 : memref<1x32xf32, #tpu.memory_space<hbm>> -> memref<32xf32, #tpu.memory_space<hbm>>
        tpu.enqueue_dma source(%arg10 : memref<32xf32, #tpu.memory_space<vmem>>) target(%dma_start3A_697 : memref<32xf32, #tpu.memory_space<hbm>>) target_semaphore(%run_scoped3A : memref<!tpu.dma_semaphore, #tpu.memory_space<semaphore_mem>>)
        %dma_wait3A = arith.constant 0 : i32
        %dma_wait3A_698 = tpu.memref_slice %arg4[%arg0, %dma_wait3A] : memref<2x32xf32, #tpu.memory_space<hbm>> -> memref<1x32xf32, #tpu.memory_space<hbm>>
        %dma_wait3A_699 = tpu.memref_squeeze %dma_wait3A_698 : memref<1x32xf32, #tpu.memory_space<hbm>> -> memref<32xf32, #tpu.memory_space<hbm>>
        %dma_wait3A_700 = arith.constant 0 : i32
        %dma_wait3A_701 = tpu.memref_slice %arg4[%arg0, %dma_wait3A_700] : memref<2x32xf32, #tpu.memory_space<hbm>> -> memref<1x32xf32, #tpu.memory_space<hbm>>
        %dma_wait3A_702 = tpu.memref_squeeze %dma_wait3A_701 : memref<1x32xf32, #tpu.memory_space<hbm>> -> memref<32xf32, #tpu.memory_space<hbm>>
        tpu.wait_dma2 semaphore(%run_scoped3A : memref<!tpu.dma_semaphore, #tpu.memory_space<semaphore_mem>>) src(%arg10 : memref<32xf32, #tpu.memory_space<vmem>>) dst(%dma_wait3A_702 : memref<32xf32, #tpu.memory_space<hbm>>)
        tpu.yield
      }) : () -> ()
      "tpu.region"() ({
        %run_scoped3A = tpu.sem_alloc : memref<!tpu.dma_semaphore, #tpu.memory_space<semaphore_mem>>
        %dma_start3A = arith.constant 0 : i32
        %dma_start3A_693 = tpu.memref_slice %arg5[%arg0, %dma_start3A] : memref<2x32xi32, #tpu.memory_space<hbm>> -> memref<1x32xi32, #tpu.memory_space<hbm>>
        %dma_start3A_694 = tpu.memref_squeeze %dma_start3A_693 : memref<1x32xi32, #tpu.memory_space<hbm>> -> memref<32xi32, #tpu.memory_space<hbm>>
        %dma_start3A_695 = arith.constant 0 : i32
        %dma_start3A_696 = tpu.memref_slice %arg5[%arg0, %dma_start3A_695] : memref<2x32xi32, #tpu.memory_space<hbm>> -> memref<1x32xi32, #tpu.memory_space<hbm>>
        %dma_start3A_697 = tpu.memref_squeeze %dma_start3A_696 : memref<1x32xi32, #tpu.memory_space<hbm>> -> memref<32xi32, #tpu.memory_space<hbm>>
        tpu.enqueue_dma source(%arg11 : memref<32xi32, #tpu.memory_space<vmem>>) target(%dma_start3A_697 : memref<32xi32, #tpu.memory_space<hbm>>) target_semaphore(%run_scoped3A : memref<!tpu.dma_semaphore, #tpu.memory_space<semaphore_mem>>)
        %dma_wait3A = arith.constant 0 : i32
        %dma_wait3A_698 = tpu.memref_slice %arg5[%arg0, %dma_wait3A] : memref<2x32xi32, #tpu.memory_space<hbm>> -> memref<1x32xi32, #tpu.memory_space<hbm>>
        %dma_wait3A_699 = tpu.memref_squeeze %dma_wait3A_698 : memref<1x32xi32, #tpu.memory_space<hbm>> -> memref<32xi32, #tpu.memory_space<hbm>>
        %dma_wait3A_700 = arith.constant 0 : i32
        %dma_wait3A_701 = tpu.memref_slice %arg5[%arg0, %dma_wait3A_700] : memref<2x32xi32, #tpu.memory_space<hbm>> -> memref<1x32xi32, #tpu.memory_space<hbm>>
        %dma_wait3A_702 = tpu.memref_squeeze %dma_wait3A_701 : memref<1x32xi32, #tpu.memory_space<hbm>> -> memref<32xi32, #tpu.memory_space<hbm>>
        tpu.wait_dma2 semaphore(%run_scoped3A : memref<!tpu.dma_semaphore, #tpu.memory_space<semaphore_mem>>) src(%arg11 : memref<32xi32, #tpu.memory_space<vmem>>) dst(%dma_wait3A_702 : memref<32xi32, #tpu.memory_space<hbm>>)
        tpu.yield
      }) : () -> ()
    } else {
    }
    return
  }
}

</mosaic_0001>

<sc_bundles>
// kernel: kernel.3.cloned.1.call-start
scs
__scs_entry_jumppad:
0x0: {  	(pc) =	sbr.rel $0x88, $3  }
0x1: {  	(tag) =	ssettag $0x0;
	lr =	simm.s32 $0x1  }
0x2: {  	[smem:$0x3F9D] =	sst lr;
	_ =	strace $0xD0000000  }
0x3: {  	_ = 	snop  }
0x4: {  	_ = 	snop  }
0x5: {  	_ = 	snop  }
0x6: {  	_ = 	snop  }
0x7: {  	_ = 	snop  }
__scs_overlays_trampoline_lowered:
0x8: {  	[smem:$0x3FAC] =	sst s0  }
0x9: {  	[smem:$0x3FAD] =	sst s1  }
0xa: {  	[smem:$0x3FAE] =	sst s2  }
0xb: {  	[smem:$0x3FAF] =	sst s3  }
0xc: {  	[smem:$0x3FB0] =	sst s4  }
0xd: {  	[smem:$0x3FB1] =	sst s5  }
0xe: {  	[smem:$0x3FB2] =	sst s6  }
0xf: {  	[smem:$0x3FB3] =	sst s7  }
0x10: {  	[smem:$0x3FB4] =	sst s8  }
0x11: {  	[smem:$0x3FB5] =	sst s9;
	s0 =	simm.s32 @!p0 $0x0  }
0x12: {  	s1 =	sld [smem:$0x3F9B];
	s0 =	simm.s32 @p0 $0x1  }
0x13: {  	[smem:$0x3FB6] =	sst s0;
	s0 =	simm.s32 @!p1 $0x0  }
0x14: {  	s2 =	sld [smem:$0x3F9A];
	s0 =	simm.s32 @p1 $0x1  }
0x15: {  	[smem:$0x3FB7] =	sst s0;
	s0 =	simm.s32 @!p2 $0x0  }
0x16: {  	s3 =	sld [smem:$0x3FDB];
	s0 =	simm.s32 @p2 $0x1  }
0x17: {  	s4 =	simm.s32 $0x1BF5;
	[smem:$0x3FB9] =	sst s0  }
0x18: {  	s0 =	sld [smem:$0x3F9C];
	_ =	swait.ge [sflag:s4], $0x0  }
0x19: {  	s7 =	sld [smem:$0x3F9D]  }
0x1a: {  	s8 =	sadd.s32 $0xFFFFE003, lr  }
0x1b: {  	s9 =	sadd.s32 $0xFFFFFEF7, lr;
	s5 =	simm.s32 $0xFFFFFFFF;
	p2 =	slt.u32 s8, $0xFFFFF086  }
0x1c: {  	p1 =	slt.u32 s9, $0xF7A;
	s5 =	simm.s32 @!p2 $0x0  }
0x1d: {  	s5 =	simm.s32 @p1 $0x1;
	p0 =	seq.s32 s7, s2  }
0x1e: {  	s7 =	smul.u32 @!p0 $0xF7A, s2;
	p2 =	seq.s32 @!p0 s5, $0x0  }
0x1f: {  	s9 =	smul.u32 $0xF7A, s1;
	s8 =	simm.s32 @!p0 $0x1BF5;
	p2 =	por !p2, p0  }
0x20: {  	[sflag:s8] =	ssyncset.s32 @!p0 $0xFFFFF086;
	s6 =	sadd.s32 @!p0 s3, s7;
	s7 =	simm.s32 @!p0 $0x108  }
0x21: {  	s3 =	sadd.s32 s3, s9;
	s6 =	sadd.s32 @!p0 $0x88, s6;
	s7 =	simm.s32 @p2 $0x1082  }
0x22: {  	[simem:s7], [sflag:s8] =	dma.local @!p0 [hbm:s6], $0xF7A  }
0x23: {  	s9 =	sor.u32 $0xD0000000, s2;
	s6 =	simm.s32 $0x108;
	_ =	swait.ge @!p0 [sflag:s8], $0x0  }
0x24: {  	s3 =	sadd.s32 $0x88, s3;
	s6 =	simm.s32 @!p1 $0x1082;
	[sflag:s4] =	ssyncset.s32 $0xFFFFF086  }
0x25: {  	[simem:s6], [sflag:s4] =	dma.local [hbm:s3], $0xF7A  }
0x26: {  	[smem:$0x3F9D] =	sst s1;
	(tag) =	ssettag s2;
	_ =	strace s9  }
0x27: {  	s1 =	sld [smem:$0x3FAD]  }
0x28: {  	s2 =	sld [smem:$0x3FAE]  }
0x29: {  	s4 =	sld [smem:$0x3FB0]  }
0x2a: {  	p0 =	seq.s32 s5, $0x0;
	s5 =	sld [smem:$0x3FB1]  }
0x2b: {  	s6 =	sld [smem:$0x3FB2]  }
0x2c: {  	s7 =	sld [smem:$0x3FB3]  }
0x2d: {  	s3 =	simm.s32 $0x108;
	s8 =	sld [smem:$0x3FB4]  }
0x2e: {  	s3 =	simm.s32 @!p0 $0x1082;
	s9 =	sld [smem:$0x3FB5]  }
0x2f: {  	lr =	sadd.s32 s0, s3;
	s0 =	sld [smem:$0x3FAC]  }
0x30: {  	s3 =	sld [smem:$0x3FAF]  }
0x31: {  	[smem:$0x3FB8] =	sst s10  }
0x32: {  	s10 =	sld [smem:$0x3FB6];
	_ =	sdelay $0x3  }
0x33: {  	p0 =	seq.s32 s10, $0x1;
	s10 =	sld [smem:$0x3FB8];
	_ =	sdelay $0x3  }
0x34: {  	[smem:$0x3FB8] =	sst s10  }
0x35: {  	s10 =	sld [smem:$0x3FB7];
	_ =	sdelay $0x3  }
0x36: {  	p1 =	seq.s32 s10, $0x1;
	s10 =	sld [smem:$0x3FB8];
	_ =	sdelay $0x3  }
0x37: {  	[smem:$0x3FB8] =	sst s10  }
0x38: {  	s10 =	sld [smem:$0x3FB9]  }
0x39: {  	_ = 	snop;
	(pc) =	sbr.ind lr, $3  }
0x3a: {  	_ = 	snop  }
0x3b: {  	_ = 	snop  }
0x3c: {  	p2 =	seq.s32 s10, $0x1;
	s10 =	sld [smem:$0x3FB8]  }
0x3d: {  	_ =	shalt  }
0x3e: {  	_ =	shalt  }
0x3f: {  	_ =	shalt  }
0x40: {  	_ =	shalt  }
0x41: {  	_ =	shalt  }
0x42: {  	_ =	shalt  }
0x43: {  	_ =	shalt  }
0x44: {  	_ =	shalt  }
0x45: {  	_ =	shalt  }
0x46: {  	_ =	shalt  }
0x47: {  	_ =	shalt  }
0x48: {  	_ =	shalt  }
0x49: {  	_ =	shalt  }
0x4a: {  	_ =	shalt  }
0x4b: {  	_ =	shalt  }
0x4c: {  	_ =	shalt  }
0x4d: {  	_ =	shalt  }
0x4e: {  	_ =	shalt  }
0x4f: {  	_ =	shalt  }
0x50: {  	_ =	shalt  }
0x51: {  	_ =	shalt  }
0x52: {  	_ =	shalt  }
0x53: {  	_ =	shalt  }
0x54: {  	_ =	shalt  }
0x55: {  	_ =	shalt  }
0x56: {  	_ =	shalt  }
0x57: {  	_ =	shalt  }
0x58: {  	_ =	shalt  }
0x59: {  	_ =	shalt  }
0x5a: {  	_ =	shalt  }
0x5b: {  	_ =	shalt  }
0x5c: {  	_ =	shalt  }
0x5d: {  	_ =	shalt  }
0x5e: {  	_ =	shalt  }
0x5f: {  	_ =	shalt  }
0x60: {  	_ =	shalt  }
0x61: {  	_ =	shalt  }
0x62: {  	_ =	shalt  }
0x63: {  	_ =	shalt  }
0x64: {  	_ =	shalt  }
0x65: {  	_ =	shalt  }
0x66: {  	_ =	shalt  }
0x67: {  	_ =	shalt  }
0x68: {  	_ =	shalt  }
0x69: {  	_ =	shalt  }
0x6a: {  	_ =	shalt  }
0x6b: {  	_ =	shalt  }
0x6c: {  	_ =	shalt  }
0x6d: {  	_ =	shalt  }
0x6e: {  	_ =	shalt  }
0x6f: {  	_ =	shalt  }
0x70: {  	_ =	shalt  }
0x71: {  	_ =	shalt  }
0x72: {  	_ =	shalt  }
0x73: {  	_ =	shalt  }
0x74: {  	_ =	shalt  }
0x75: {  	_ =	shalt  }
0x76: {  	_ =	shalt  }
0x77: {  	_ =	shalt  }
0x78: {  	_ =	shalt  }
0x79: {  	_ =	shalt  }
0x7a: {  	_ =	shalt  }
0x7b: {  	_ =	shalt  }
0x7c: {  	_ =	shalt  }
0x7d: {  	_ =	shalt  }
0x7e: {  	_ =	shalt  }
0x7f: {  	_ =	shalt  }
0x80: {  	_ =	shalt  }
0x81: {  	_ =	shalt  }
0x82: {  	_ =	shalt  }
0x83: {  	_ =	shalt  }
0x84: {  	_ =	shalt  }
0x85: {  	_ =	shalt  }
0x86: {  	_ =	shalt  }
0x87: {  	_ =	shalt  }
.Lfunc_end0:
.L_simem_size_0:
called_computation_lowered:
.L_overlay_start_0:
0x88: {  	s2 =	sld [smem:$0x3FD9]  }
0x89: {  	s3 =	sld [smem:$0x3FFE];
	_ =	sdelay $0x1  }
0x8a: {  	s1 =	srdreg.scid  }
0x8b: {  	s0 =	sand.u32 $0x1, s1  }
0x8c: {  	s17 =	sshll.u32 s0, $0xA;
	s2 =	sadd.s32 s3, s2  }
0x8d: {  	s2 =	sadd.s32 s2, s17  }
0x8e: {  	[smem:$0x3FC4] =	sst s2  }
0x8f: {  	_ = 	snop  }
0x90: {  	s2 =	sld [smem:$0x3FC9]  }
0x91: {  	s18 =	sld [smem:$0x3FC8];
	(tm) =	ssettm $0x1  }
0x92: {  	s4 =	sld [smem:$0x3FFB];
	_ =	sdelay $0x3  }
0x93: {  	_ =	strace s4  }
0x94: {  	s4 =	sld [smem:$0x3FFC];
	_ =	sdelay $0x3  }
0x95: {  	_ =	strace s4  }
0x96: {  	s4 =	sld [smem:$0x3FFD];
	_ =	sdelay $0x3  }
0x97: {  	_ =	strace s4  }
0x98: {  	_ =	strace $0x8FFFFFFF  }
0x99: {  	s19 =	sld [smem:$0x3FDB];
	_ =	sdelay $0x1  }
0x9a: {  	s5 =	simm.s32 $_scs_section_size  }
0x9b: {  	s6 =	simm.s32 $_size__tile_overlayer_lowered;
	s7 =	simm.s32 $_tile_overlayer_lowered  }
0x9c: {  	s22 =	simm.s32 $0x1BFF;
	s21 =	sshll.u32 s7, $0x1;
	s4 =	sadd.s32 s5, s19  }
0x9d: {  	s8 =	simm.s32 $0x0;
	s20 =	sshll.u32 s6, $0x1;
	s6 =	sadd.s32 s21, s4  }
0x9e: {  	[timem:s8], [sflag:s22] =	dma.local [hbm:s6], s20  }
0x9f: {  	_ =	swait.ge [sflag:s22], s20  }
0xa0: {  	s5 =	ssub.s32 $0x0, s20;
	[sflag:s22] =	ssyncset.done $0x0  }
0xa1: {  	[sflag:s22] =	ssyncadd.s32 s5;
	_ =	sdelay $0x1  }
0xa2: {  	s23 =	simm.s32 $0x1B8B  }
0xa3: {  	_ =	swait.ge [sflag:s23], $0x1  }
0xa4: {  	[sflag:s23] =	ssyncset.done $0x0  }
0xa5: {  	s25 =	simm.s32 $0x1B8E;
	s24 =	sld [smem:$0x3FFE];
	[sflag:s23] =	ssyncadd.s32 $0xFFFFFFFF  }
0xa6: {  	s26 =	simm.s32 $execute0_lowered;
	[smem:$0x3FD2] =	sst s25  }
0xa7: {  	s6 =	sshll.u32 s26, $0x1;
	_ =	strace $0x80000046;
	[dreg:$0x1] =	wrdreg $0xFFFFFFFF  }
0xa8: {  	s28 =	simm.s32 $_size_execute0_lowered;
	s4 =	sadd.s32 s4, s6;
	[dreg:$0x0] =	wrdreg $0x0  }
0xa9: {  	s6 =	sshll.u32 s28, $0x1;
	[dreg:$0x2] =	wrdreg s4  }
0xaa: {  	[dreg:$0x3] =	wrdreg s6  }
0xab: {  	[dreg:$0x4] =	wrdreg $0xC0  }
0xac: {  	_ =	task [dreg:s8], $0x5FFFF  }
0xad: {  	[dreg:$0x1] =	wrdreg $0xFFFFFFFF  }
0xae: {  	[dreg:$0x0] =	wrdreg $0x60  }
0xaf: {  	[dreg:$0x2] =	wrdreg s2  }
0xb0: {  	[dreg:$0x3] =	wrdreg s18  }
0xb1: {  	[dreg:$0x4] =	wrdreg s24  }
0xb2: {  	[dreg:$0x5] =	wrdreg $0x18C000  }
0xb3: {  	[dreg:$0x6] =	wrdreg $0x18C200  }
0xb4: {  	[dreg:$0x7] =	wrdreg $0x9  }
0xb5: {  	_ =	task.clear_ibuf [dreg:s8], $0x8FFFF;
	_ =	strace $0x90000046  }
0xb6: {  	s29 =	simm.s32 $0x9;
	_ =	strace $0x80000048  }
0xb7: {  	_ =	swait.ge [sflag:s29], $0x1  }
0xb8: {  	[sflag:s29] =	ssyncadd.s32 $0xFFFFFFFF  }
0xb9: {  	_ =	strace $0x90000048  }
0xba: {  	_ =	sfence  }
0xbb: {  	s30 =	sld [smem:$0x0];
	_ =	sdelay $0x2  }
0xbc: {  	s31 =	sshll.u32 s1, $0xD;
	s1 =	sshrl.u32 s1, $0x2  }
0xbd: {  	s3 =	sand.u32 $0x4000, s31;
	s1 =	sadd.s32 s1, s30  }
0xbe: {  	s0 =	sor.u32 s3, s0;
	s1 =	sshll.u32 s1, $0x11  }
0xbf: {  	s0 =	sor.u32 s1, s0  }
0xc0: {  	s0 =	sadd.s32 $0x8F2B, s0  }
0xc1: {  	[sflag:s0] =	ssyncadd.remote.s32 $0x1  }
0xc2: {  	_ =	sfence.sel $0xFFFF  }
0xc3: {  	[dreg:$0x0] =	wrdreg $0xFFFFFFFF;
	(pc) =	sbr.abs _section_cstart, $3  }
0xc4: {  	[dreg:$0x1] =	wrdreg $0xFFFFFFFF  }
0xc5: {  	_ =	task.clear_ibuf [dreg:s8], $0x2FFFF;
	_ =	strace $0x9FFFFFFF  }
0xc6: {  	(tm) =	ssettm $0x7FFFFFFF  }
0xc7: {  	_ =	shalt  }
tec
execute0_lowered:
.L_overlay_start_1:
0x0: {  	(tag) =	ssettag $0x1  }
0x1: {  	v0 =	vlaneseq.u32  }
0x2: {  	v1 =	vmul.u32 $0x10, v0;
	_ =	sdelay $0x1  }
0x3: {  	v5 =	vor.u32 $0x100, v1  }
0x4: {  	[tilespmem:$0x1FE00] =	vst v5;
	v5 =	vor.u32 $0x1, v1  }
0x5: {  	[tilespmem:$0x1FE10] =	vst v5;
	v5 =	vor.u32 $0x101, v1  }
0x6: {  	[tilespmem:$0x1FE20] =	vst v5;
	v5 =	vor.u32 $0x2, v1  }
0x7: {  	[tilespmem:$0x1FE30] =	vst v5;
	v5 =	vor.u32 $0x102, v1  }
0x8: {  	s4 =	rddreg [dreg:$0x0];
	[tilespmem:$0x1FE40] =	vst v5;
	v5 =	vor.u32 $0x3, v1  }
0x9: {  	s5 =	rddreg [dreg:$0x1];
	[tilespmem:$0x1FE50] =	vst v5;
	v5 =	vor.u32 $0x103, v1  }
0xa: {  	s6 =	rddreg [dreg:$0x2];
	[tilespmem:$0x1FE60] =	vst v5;
	v5 =	vor.u32 $0x4, v1  }
0xb: {  	s1 =	rddreg [dreg:$0x3];
	[tilespmem:$0x1FE70] =	vst v5;
	v5 =	vor.u32 $0x104, v1  }
0xc: {  	s2 =	rddreg [dreg:$0x4];
	s3 =	simm.s32 $0x0;
	[tilespmem:$0x1FE80] =	vst v5;
	v5 =	vor.u32 $0x5, v1  }
0xd: {  	[smem:$0x7FF] =	sst s3;
	[tilespmem:$0x1FE90] =	vst v5;
	v5 =	vor.u32 $0x105, v1  }
0xe: {  	s0 =	rddreg [dreg:$0x5];
	v2 =	vor.u32 $0x10E, v1;
	_ =	strace $0x80000047;
	[tilespmem:$0x1FEA0] =	vst v5  }
0xf: {  	[tilespmem:$0x1FFC0] =	vst v2  }
0x10: {  	v5 =	vor.u32 $0x6, v1;
	[tilespmem:$0x1FFE0] =	vst v1  }
0x11: {  	v2 =	vor.u32 $0xF, v1;
	[tilespmem:$0x1FEB0] =	vst v5  }
0x12: {  	v5 =	vor.u32 $0x106, v1;
	[tilespmem:$0x1FFD0] =	vst v2  }
0x13: {  	[tilespmem:$0x1FEC0] =	vst v5;
	v5 =	vor.u32 $0x7, v1  }
0x14: {  	[tilespmem:$0x1FED0] =	vst v5;
	v5 =	vor.u32 $0x107, v1  }
0x15: {  	[tilespmem:$0x1FEE0] =	vst v5;
	v5 =	vor.u32 $0x8, v1  }
0x16: {  	[tilespmem:$0x1FEF0] =	vst v5;
	v5 =	vor.u32 $0x108, v1  }
0x17: {  	[tilespmem:$0x1FF00] =	vst v5;
	v5 =	vor.u32 $0x9, v1  }
0x18: {  	[tilespmem:$0x1FF10] =	vst v5;
	v5 =	vor.u32 $0x109, v1  }
0x19: {  	[tilespmem:$0x1FF20] =	vst v5;
	v5 =	vor.u32 $0xA, v1  }
0x1a: {  	s7 =	srdreg.scid;
	s15 =	stileid.u32;
	s12 =	simm.s32 $0xC380;
	[tilespmem:$0x1FF30] =	vst v5;
	v5 =	vor.u32 $0x10A, v1  }
0x1b: {  	s13 =	simm.s32 $0x18700;
	s14 =	simm.s32 $0x18900;
	s16 =	simm.s32 $0x18B80;
	[tilespmem:$0x1FF40] =	vst v5;
	v5 =	vor.u32 $0xB, v1  }
0x1c: {  	s17 =	simm.s32 $0x18C40;
	s18 =	simm.s32 $0x18E40;
	s19 =	simm.s32 $0x0;
	[tilespmem:$0x1FF50] =	vst v5;
	v5 =	vor.u32 $0x10B, v1  }
0x1d: {  	s7 =	sand.u32 $0x1, s7;
	s8 =	sshll.u32 s15, $0x1;
	s31 =	sshll.u32 s15, $0x5;
	[tilespmem:$0x1FF60] =	vst v5;
	v5 =	vor.u32 $0xC, v1  }
0x1e: {  	p0 =	sne.s32 s15, $0x0;
	s15 =	simm.s32 $0x18B00;
	s9 =	ssub.s32 $0x2, s7;
	[tilespmem:$0x1FF70] =	vst v5;
	v5 =	vor.u32 $0x10C, v1  }
.Ltmp0:
0x1f: {  	s8 =	sor.u32 s7, s8;
	s7 =	sshll.u32 s7, $0x4;
	[tilespmem:$0x1FF80] =	vst v5;
	v5 =	vor.u32 $0xD, v1;
	(pc) =	sbr.rel .LBB2_1-.Ltmp0, $4  }
0x20: {  	s10 =	sshrl.u32 s9, $0x1;
	s8 =	smul.u32 $0x186A, s8;
	s11 =	sadd.s32 s7, s6;
	[tilespmem:$0x1FF90] =	vst v5;
	v5 =	vor.u32 $0x10D, v1  }
0x21: {  	s6 =	sadd.s32 s31, s1;
	s7 =	sadd.s32 s31, s2;
	s10 =	ssub.s32 s9, s10;
	[tilespmem:$0x1FFA0] =	vst v5;
	v5 =	vor.u32 $0xE, v1  }
0x22: {  	s9 =	sadd.s32 $0xC00, s11;
	s4 =	sadd.s32 s4, s8;
	s5 =	sadd.s32 s5, s8;
	v1 =	vor.u32 $0x10F, v1;
	[tilespmem:$0x1FFB0] =	vst v5  }
0x23: {  	v60 =	vimm.f32 $0.0e+00;
	v3 =	vimm.s32 $0x0;
	v4 =	vimm.s32 $0x1;
	s8 =	sadd.s32 $0xE00, s11;
	s10 =	smax.u32 s10, $0x1;
	s11 =	simm.s32 $0x1;
	[tilespmem:$0x1FFF0] =	vst v1  }
.LBB2_6:
0x24: {  	s19 =	sadd.s32 $0x1, s19  }
0x25: {  	p1 =	sne.s32 s19, s10  }
.Ltmp1:
0x26: {  	_ = 	snop;
	(pc) =	sbr.rel @!p1 .LBB2_7-.Ltmp1, $1  }
0x27: {  	_ =	sdelay $0x3  }
.LBB2_1:
0x28: {  	[tilespmem:s3], [sflag:$0x1] =	stream.linear.gather [hbm4b:s4+s3], $0xC350, $0x38;
	[tilespmem:$0x19040] =	vst v63  }
0x29: {  	_ =	swait.ge [sflag:s11], $0xC350  }
0x2a: {  	[sflag:s11] =	ssyncset.done $0x0  }
0x2b: {  	[sflag:s11] =	ssyncadd.s32 $0xFFFF3CB0  }
0x2c: {  	[tilespmem:s12], [sflag:$0x1] =	stream.linear.gather [hbm4b:s5+s3], $0xC350, $0x38;
	[tilespmem:$0x19040] =	vst v63  }
0x2d: {  	_ =	swait.ge [sflag:s11], $0xC350  }
0x2e: {  	[sflag:s11] =	ssyncset.done $0x0  }
0x2f: {  	[sflag:s11] =	ssyncadd.s32 $0xFFFF3CB0  }
0x30: {  	[tilespmem:$0x18700] =	vst v60  }
0x31: {  	[tilespmem:$0x18900] =	vst v3  }
0x32: {  	[tilespmem:$0x18710] =	vst v60  }
0x33: {  	[tilespmem:$0x18910] =	vst v3  }
0x34: {  	[tilespmem:$0x18720] =	vst v60  }
0x35: {  	[tilespmem:$0x18920] =	vst v3  }
0x36: {  	[tilespmem:$0x18730] =	vst v60  }
0x37: {  	[tilespmem:$0x18930] =	vst v3  }
0x38: {  	[tilespmem:$0x18740] =	vst v60  }
0x39: {  	[tilespmem:$0x18940] =	vst v3  }
0x3a: {  	[tilespmem:$0x18750] =	vst v60  }
0x3b: {  	[tilespmem:$0x18950] =	vst v3  }
0x3c: {  	[tilespmem:$0x18760] =	vst v60  }
0x3d: {  	[tilespmem:$0x18960] =	vst v3  }
0x3e: {  	[tilespmem:$0x18770] =	vst v60  }
0x3f: {  	[tilespmem:$0x18970] =	vst v3  }
0x40: {  	[tilespmem:$0x18780] =	vst v60  }
0x41: {  	[tilespmem:$0x18980] =	vst v3  }
0x42: {  	[tilespmem:$0x18790] =	vst v60  }
0x43: {  	[tilespmem:$0x18990] =	vst v3  }
0x44: {  	[tilespmem:$0x187A0] =	vst v60  }
0x45: {  	[tilespmem:$0x189A0] =	vst v3  }
0x46: {  	[tilespmem:$0x187B0] =	vst v60  }
0x47: {  	[tilespmem:$0x189B0] =	vst v3  }
0x48: {  	[tilespmem:$0x187C0] =	vst v60  }
0x49: {  	[tilespmem:$0x189C0] =	vst v3  }
0x4a: {  	[tilespmem:$0x187D0] =	vst v60  }
0x4b: {  	[tilespmem:$0x189D0] =	vst v3  }
0x4c: {  	[tilespmem:$0x187E0] =	vst v60  }
0x4d: {  	[tilespmem:$0x189E0] =	vst v3  }
0x4e: {  	[tilespmem:$0x187F0] =	vst v60  }
0x4f: {  	[tilespmem:$0x189F0] =	vst v3  }
0x50: {  	[tilespmem:$0x18800] =	vst v60  }
0x51: {  	[tilespmem:$0x18A00] =	vst v3  }
0x52: {  	[tilespmem:$0x18810] =	vst v60  }
0x53: {  	[tilespmem:$0x18A10] =	vst v3  }
0x54: {  	[tilespmem:$0x18820] =	vst v60  }
0x55: {  	[tilespmem:$0x18A20] =	vst v3  }
0x56: {  	[tilespmem:$0x18830] =	vst v60  }
0x57: {  	[tilespmem:$0x18A30] =	vst v3  }
0x58: {  	[tilespmem:$0x18840] =	vst v60  }
0x59: {  	[tilespmem:$0x18A40] =	vst v3  }
0x5a: {  	[tilespmem:$0x18850] =	vst v60  }
0x5b: {  	[tilespmem:$0x18A50] =	vst v3  }
0x5c: {  	[tilespmem:$0x18860] =	vst v60  }
0x5d: {  	[tilespmem:$0x18A60] =	vst v3  }
0x5e: {  	[tilespmem:$0x18870] =	vst v60  }
0x5f: {  	[tilespmem:$0x18A70] =	vst v3  }
0x60: {  	[tilespmem:$0x18880] =	vst v60  }
0x61: {  	[tilespmem:$0x18A80] =	vst v3  }
0x62: {  	[tilespmem:$0x18890] =	vst v60  }
0x63: {  	[tilespmem:$0x18A90] =	vst v3  }
0x64: {  	[tilespmem:$0x188A0] =	vst v60  }
0x65: {  	[tilespmem:$0x18AA0] =	vst v3  }
0x66: {  	[tilespmem:$0x188B0] =	vst v60  }
0x67: {  	[tilespmem:$0x18AB0] =	vst v3  }
0x68: {  	[tilespmem:$0x188C0] =	vst v60  }
0x69: {  	[tilespmem:$0x18AC0] =	vst v3  }
0x6a: {  	[tilespmem:$0x188D0] =	vst v60  }
0x6b: {  	[tilespmem:$0x18AD0] =	vst v3  }
0x6c: {  	[tilespmem:$0x188E0] =	vst v60  }
0x6d: {  	[tilespmem:$0x18AE0] =	vst v3  }
0x6e: {  	[tilespmem:$0x188F0] =	vst v60  }
0x6f: {  	s21 =	simm.s32 $0xC3C0;
	[tilespmem:$0x18AF0] =	vst v3  }
0x70: {  	v36 =	vld [tilespmem:s21+$0x30]  }
0x71: {  	v37 =	vld [tilespmem:s21+$0xFFFFFFD0]  }
0x72: {  	v38 =	vld [tilespmem:s21+$0xFFFFFFE0]  }
0x73: {  	v39 =	vld [tilespmem:s21+$0xFFFFFFF0]  }
0x74: {  	v40 =	vld [tilespmem:s21+$0x0]  }
0x75: {  	s20 =	simm.s32 $0x40;
	v41 =	vld [tilespmem:s21+$0x10]  }
0x76: {  	v42 =	vld [tilespmem:s20+$0x30]  }
0x77: {  	v44 =	vld [tilespmem:s21+$0xFFFFFFC0]  }
0x78: {  	v43 =	vld [tilespmem:s21+$0x20]  }
0x79: {  	v45 =	vld [tilespmem:s20+$0xFFFFFFC0]  }
0x7a: {  	v46 =	vld [tilespmem:s20+$0xFFFFFFD0];
	v36 =	vshll.u32 v36, $0x4  }
0x7b: {  	v58 =	vld [tilespmem:s20+$0xFFFFFFE0];
	v37 =	vshll.u32 v37, $0x4;
	v36 =	vor.u32 v0, v36  }
0x7c: {  	v59 =	vld [tilespmem:s20+$0xFFFFFFF0];
	v57 =	vshll.u32 v44, $0x4;
	v56 =	vor.u32 v0, v37  }
0x7d: {  	v47 =	vld [tilespmem:s20+$0x0];
	v38 =	vshll.u32 v38, $0x4;
	v37 =	vor.u32 v0, v57  }
0x7e: {  	v48 =	vld [tilespmem:s20+$0x10];
	v39 =	vshll.u32 v39, $0x4;
	v38 =	vor.u32 v0, v38  }
0x7f: {  	v49 =	vld [tilespmem:s20+$0x20];
	v40 =	vshll.u32 v40, $0x4;
	v39 =	vor.u32 v0, v39  }
0x80: {  	v61 =	vor.u32 v0, v40;
	[tilespmem:v36+s13+$0x0] =	vst.idx.add.f32.msk $0xffff, v42  }
0x81: {  	[tilespmem:v56+s13+$0x0] =	vst.idx.add.f32.msk $0xffff, v46  }
0x82: {  	[tilespmem:v37+s13+$0x0] =	vst.idx.add.f32.msk $0xffff, v45  }
0x83: {  	[tilespmem:v38+s13+$0x0] =	vst.idx.add.f32.msk $0xffff, v58  }
0x84: {  	[tilespmem:v39+s13+$0x0] =	vst.idx.add.f32.msk $0xffff, v59  }
0x85: {  	[tilespmem:v61+s13+$0x0] =	vst.idx.add.f32.msk $0xffff, v47  }
0x86: {  	v62 =	vshll.u32 v41, $0x4;
	[tilespmem:v36+s14+$0x0] =	vst.idx.add.s32.msk $0xffff, v4  }
0x87: {  	v63 =	vshll.u32 v43, $0x4;
	[tilespmem:v37+s14+$0x0] =	vst.idx.add.s32.msk $0xffff, v4;
	v36 =	vor.u32 v0, v62  }
0x88: {  	[tilespmem:v38+s14+$0x0] =	vst.idx.add.s32.msk $0xffff, v4;
	v38 =	vor.u32 v0, v63  }
0x89: {  	[tilespmem:v56+s14+$0x0] =	vst.idx.add.s32.msk $0xffff, v4  }
0x8a: {  	[tilespmem:v39+s14+$0x0] =	vst.idx.add.s32.msk $0xffff, v4  }
0x8b: {  	[tilespmem:v61+s14+$0x0] =	vst.idx.add.s32.msk $0xffff, v4  }
0x8c: {  	[tilespmem:v36+s13+$0x0] =	vst.idx.add.f32.msk $0xffff, v48  }
0x8d: {  	[tilespmem:v38+s13+$0x0] =	vst.idx.add.f32.msk $0xffff, v49  }
0x8e: {  	s24 =	simm.s32 $0x0;
	s22 =	simm.s32 $0xC300;
	[tilespmem:v36+s14+$0x0] =	vst.idx.add.s32.msk $0xffff, v4  }
0x8f: {  	s23 =	simm.s32 $0x18680;
	s25 =	simm.s32 $0xC440;
	s21 =	simm.s32 $0xC2F0;
	[tilespmem:v38+s14+$0x0] =	vst.idx.add.s32.msk $0xffff, v4  }
.LBB2_2:
0x90: {  	v36 =	vld [tilespmem:s25+$0x30]  }
0x91: {  	s24 =	sadd.s32 $0x80, s24;
	v37 =	vld [tilespmem:s25+$0xFFFFFFD0]  }
0x92: {  	p1 =	slt.u32 s24, $0xC280;
	v38 =	vld [tilespmem:s25+$0xFFFFFFE0]  }
0x93: {  	v39 =	vld [tilespmem:s25+$0xFFFFFFF0]  }
0x94: {  	v40 =	vld [tilespmem:s25+$0x0]  }
0x95: {  	s20 =	sadd.s32 $0x80, s20;
	v41 =	vld [tilespmem:s25+$0x10];
	v36 =	vshll.u32 v36, $0x4  }
0x96: {  	v37 =	vshll.u32 v37, $0x4;
	v42 =	vld [tilespmem:s20+$0x30];
	v36 =	vor.u32 v0, v36  }
0x97: {  	v37 =	vor.u32 v0, v37;
	v38 =	vshll.u32 v38, $0x4;
	v43 =	vld [tilespmem:s25+$0x20]  }
0x98: {  	v44 =	vld [tilespmem:s25+$0xFFFFFFC0];
	v38 =	vor.u32 v0, v38;
	v39 =	vshll.u32 v39, $0x4  }
0x99: {  	v45 =	vld [tilespmem:s20+$0xFFFFFFC0];
	v39 =	vor.u32 v0, v39;
	v40 =	vshll.u32 v40, $0x4  }
0x9a: {  	v46 =	vld [tilespmem:s20+$0xFFFFFFD0];
	v40 =	vor.u32 v0, v40;
	v41 =	vshll.u32 v41, $0x4  }
0x9b: {  	v41 =	vor.u32 v0, v41;
	[tilespmem:v36+s13+$0x0] =	vst.idx.add.f32.msk $0xffff, v42  }
0x9c: {  	v42 =	vshll.u32 v43, $0x4;
	[tilespmem:v36+s14+$0x0] =	vst.idx.add.s32.msk $0xffff, v4  }
0x9d: {  	v36 =	vshll.u32 v44, $0x4;
	v43 =	vld [tilespmem:s20+$0xFFFFFFE0];
	v42 =	vor.u32 v0, v42  }
0x9e: {  	v36 =	vor.u32 v0, v36;
	v44 =	vld [tilespmem:s20+$0xFFFFFFF0]  }
0x9f: {  	v47 =	vld [tilespmem:s20+$0x0]  }
0xa0: {  	v48 =	vld [tilespmem:s20+$0x10]  }
0xa1: {  	v49 =	vld [tilespmem:s20+$0x20]  }
0xa2: {  	[tilespmem:v37+s13+$0x0] =	vst.idx.add.f32.msk $0xffff, v46  }
0xa3: {  	[tilespmem:v36+s13+$0x0] =	vst.idx.add.f32.msk $0xffff, v45  }
0xa4: {  	[tilespmem:v36+s14+$0x0] =	vst.idx.add.s32.msk $0xffff, v4  }
0xa5: {  	[tilespmem:v37+s14+$0x0] =	vst.idx.add.s32.msk $0xffff, v4  }
0xa6: {  	[tilespmem:v38+s13+$0x0] =	vst.idx.add.f32.msk $0xffff, v43  }
0xa7: {  	[tilespmem:v38+s14+$0x0] =	vst.idx.add.s32.msk $0xffff, v4  }
0xa8: {  	[tilespmem:v39+s13+$0x0] =	vst.idx.add.f32.msk $0xffff, v44  }
0xa9: {  	[tilespmem:v39+s14+$0x0] =	vst.idx.add.s32.msk $0xffff, v4  }
0xaa: {  	[tilespmem:v40+s13+$0x0] =	vst.idx.add.f32.msk $0xffff, v47  }
.Ltmp2:
0xab: {  	[tilespmem:v40+s14+$0x0] =	vst.idx.add.s32.msk $0xffff, v4;
	(pc) =	sbr.rel @p1 .LBB2_2-.Ltmp2, $4  }
0xac: {  	[tilespmem:v41+s13+$0x0] =	vst.idx.add.f32.msk $0xffff, v48  }
0xad: {  	[tilespmem:v41+s14+$0x0] =	vst.idx.add.s32.msk $0xffff, v4  }
0xae: {  	[tilespmem:v42+s13+$0x0] =	vst.idx.add.f32.msk $0xffff, v49  }
0xaf: {  	s25 =	sadd.s32 $0x80, s25;
	[tilespmem:v42+s14+$0x0] =	vst.idx.add.s32.msk $0xffff, v4  }
.LBB2_3:
0xb0: {  	v36 =	vld [tilespmem:s23+$0x0];
	_ =	sdelay $0x4  }
0xb1: {  	v36 =	vshll.u32 v36, $0x4  }
0xb2: {  	v37 =	vld [tilespmem:s22+$0x0];
	s21 =	sadd.s32 $0x10, s21;
	v36 =	vor.u32 v0, v36  }
0xb3: {  	p1 =	slt.u32 s21, $0xC340  }
.Ltmp3:
0xb4: {  	_ = 	snop;
	(pc) =	sbr.rel @p1 .LBB2_3-.Ltmp3, $3  }
0xb5: {  	_ =	sdelay $0x1  }
0xb6: {  	[tilespmem:v36+s13+$0x0] =	vst.idx.add.f32.msk $0xffff, v37  }
0xb7: {  	s22 =	sadd.s32 $0x10, s22;
	s23 =	sadd.s32 $0x10, s23;
	[tilespmem:v36+s14+$0x0] =	vst.idx.add.s32.msk $0xffff, v4  }
0xb8: {  	v9 =	vld [tilespmem:$0x1FFE0]  }
0xb9: {  	v10 =	vld [tilespmem:$0x1FE00]  }
0xba: {  	v11 =	vld [tilespmem:$0x1FE10]  }
0xbb: {  	v12 =	vld [tilespmem:$0x1FE20]  }
0xbc: {  	v13 =	vld [tilespmem:$0x1FE30]  }
0xbd: {  	v14 =	vld [tilespmem:$0x1FE40]  }
0xbe: {  	v15 =	vld [tilespmem:$0x1FE50]  }
0xbf: {  	v16 =	vld [tilespmem:$0x1FE60]  }
0xc0: {  	v17 =	vld [tilespmem:$0x1FE70]  }
0xc1: {  	v18 =	vld [tilespmem:$0x1FE80]  }
0xc2: {  	v19 =	vld [tilespmem:$0x1FE90]  }
0xc3: {  	v20 =	vld [tilespmem:$0x1FEA0]  }
0xc4: {  	v21 =	vld [tilespmem:$0x1FEB0]  }
0xc5: {  	v22 =	vld [tilespmem:$0x1FEC0]  }
0xc6: {  	v23 =	vld [tilespmem:$0x1FED0]  }
0xc7: {  	v24 =	vld [tilespmem:$0x1FEE0]  }
0xc8: {  	v25 =	vld [tilespmem:$0x1FEF0]  }
0xc9: {  	v26 =	vld [tilespmem:$0x1FF00]  }
0xca: {  	v27 =	vld [tilespmem:$0x1FF10]  }
0xcb: {  	v28 =	vld [tilespmem:$0x1FF20]  }
0xcc: {  	v29 =	vld [tilespmem:$0x1FF30]  }
0xcd: {  	v30 =	vld [tilespmem:$0x1FF40]  }
0xce: {  	v31 =	vld [tilespmem:$0x1FF50]  }
0xcf: {  	v32 =	vld [tilespmem:$0x1FF60]  }
0xd0: {  	v33 =	vld [tilespmem:$0x1FF70]  }
0xd1: {  	v34 =	vld [tilespmem:$0x1FF80]  }
0xd2: {  	v35 =	vld [tilespmem:$0x1FF90]  }
0xd3: {  	v1 =	vld [tilespmem:$0x1FFA0]  }
0xd4: {  	v63 =	vld [tilespmem:$0x1FFC0]  }
0xd5: {  	v36 =	vld.idx.msk [tilespmem:v9+s13+$0x0], $0xffff  }
0xd6: {  	v37 =	vld.idx.msk [tilespmem:v10+s13+$0x0], $0xffff  }
0xd7: {  	v38 =	vld.idx.msk [tilespmem:v11+s13+$0x0], $0xffff  }
0xd8: {  	v39 =	vld.idx.msk [tilespmem:v12+s13+$0x0], $0xffff  }
0xd9: {  	v40 =	vld.idx.msk [tilespmem:v13+s13+$0x0], $0xffff  }
0xda: {  	v41 =	vld.idx.msk [tilespmem:v14+s13+$0x0], $0xffff  }
0xdb: {  	v42 =	vld.idx.msk [tilespmem:v15+s13+$0x0], $0xffff  }
0xdc: {  	v43 =	vld.idx.msk [tilespmem:v16+s13+$0x0], $0xffff  }
0xdd: {  	v44 =	vld.idx.msk [tilespmem:v17+s13+$0x0], $0xffff  }
0xde: {  	v45 =	vld.idx.msk [tilespmem:v18+s13+$0x0], $0xffff  }
0xdf: {  	v46 =	vld.idx.msk [tilespmem:v19+s13+$0x0], $0xffff  }
0xe0: {  	v47 =	vld.idx.msk [tilespmem:v20+s13+$0x0], $0xffff  }
0xe1: {  	v48 =	vld.idx.msk [tilespmem:v21+s13+$0x0], $0xffff  }
0xe2: {  	v49 =	vld.idx.msk [tilespmem:v22+s13+$0x0], $0xffff  }
0xe3: {  	v50 =	vld.idx.msk [tilespmem:v23+s13+$0x0], $0xffff  }
0xe4: {  	v51 =	vld.idx.msk [tilespmem:v24+s13+$0x0], $0xffff  }
0xe5: {  	v52 =	vld.idx.msk [tilespmem:v25+s13+$0x0], $0xffff  }
0xe6: {  	v53 =	vld.idx.msk [tilespmem:v26+s13+$0x0], $0xffff  }
0xe7: {  	v54 =	vld.idx.msk [tilespmem:v27+s13+$0x0], $0xffff  }
0xe8: {  	v55 =	vld.idx.msk [tilespmem:v28+s13+$0x0], $0xffff  }
0xe9: {  	v56 =	vld.idx.msk [tilespmem:v29+s13+$0x0], $0xffff  }
0xea: {  	v57 =	vld.idx.msk [tilespmem:v30+s13+$0x0], $0xffff  }
0xeb: {  	v58 =	vld.idx.msk [tilespmem:v31+s13+$0x0], $0xffff  }
0xec: {  	v59 =	vld.idx.msk [tilespmem:v32+s13+$0x0], $0xffff  }
0xed: {  	v5 =	vld.idx.msk [tilespmem:v33+s13+$0x0], $0xffff  }
0xee: {  	v6 =	vld.idx.msk [tilespmem:v34+s13+$0x0], $0xffff  }
0xef: {  	v7 =	vld.idx.msk [tilespmem:v35+s13+$0x0], $0xffff  }
0xf0: {  	v2 =	vld.idx.msk [tilespmem:v1+s13+$0x0], $0xffff  }
0xf1: {  	v62 =	vld.idx.msk [tilespmem:v63+s13+$0x0], $0xffff  }
0xf2: {  	v9 =	vld.idx.msk [tilespmem:v9+s14+$0x0], $0xffff  }
0xf3: {  	v10 =	vld.idx.msk [tilespmem:v10+s14+$0x0], $0xffff;
	v36 =	vadd.f32 $0.0e+00, v36;
	v37 =	vadd.f32 $0.0e+00, v37  }
0xf4: {  	v11 =	vld.idx.msk [tilespmem:v11+s14+$0x0], $0xffff  }
0xf5: {  	v12 =	vld.idx.msk [tilespmem:v12+s14+$0x0], $0xffff;
	v36 =	vadd.f32 v38, v36;
	v37 =	vadd.f32 v39, v37  }
0xf6: {  	v13 =	vld.idx.msk [tilespmem:v13+s14+$0x0], $0xffff  }
0xf7: {  	v16 =	vld.idx.msk [tilespmem:v16+s14+$0x0], $0xffff;
	v36 =	vadd.f32 v40, v36;
	v37 =	vadd.f32 v41, v37  }
0xf8: {  	v17 =	vld.idx.msk [tilespmem:v17+s14+$0x0], $0xffff  }
0xf9: {  	v18 =	vld.idx.msk [tilespmem:v18+s14+$0x0], $0xffff;
	v36 =	vadd.f32 v42, v36;
	v37 =	vadd.f32 v43, v37  }
0xfa: {  	v19 =	vld.idx.msk [tilespmem:v19+s14+$0x0], $0xffff  }
0xfb: {  	v20 =	vld.idx.msk [tilespmem:v20+s14+$0x0], $0xffff;
	v36 =	vadd.f32 v44, v36;
	v37 =	vadd.f32 v45, v37  }
0xfc: {  	v21 =	vld.idx.msk [tilespmem:v21+s14+$0x0], $0xffff  }
0xfd: {  	v22 =	vld.idx.msk [tilespmem:v22+s14+$0x0], $0xffff;
	v36 =	vadd.f32 v46, v36;
	v37 =	vadd.f32 v47, v37  }
0xfe: {  	[tilespmem:$0x1FDB0] =	vst v2;
	v2 =	vld [tilespmem:$0x1FFB0]  }
0xff: {  	v23 =	vld.idx.msk [tilespmem:v23+s14+$0x0], $0xffff;
	v36 =	vadd.f32 v48, v36;
	v37 =	vadd.f32 v49, v37  }
0x100: {  	v24 =	vld.idx.msk [tilespmem:v24+s14+$0x0], $0xffff  }
0x101: {  	[tilespmem:$0x1FDD0] =	vst v62;
	v62 =	vld [tilespmem:$0x1FFD0];
	v36 =	vadd.f32 v50, v36;
	v37 =	vadd.f32 v51, v37  }
0x102: {  	v25 =	vld.idx.msk [tilespmem:v25+s14+$0x0], $0xffff  }
0x103: {  	v26 =	vld.idx.msk [tilespmem:v26+s14+$0x0], $0xffff;
	v36 =	vadd.f32 v52, v36;
	v37 =	vadd.f32 v53, v37  }
0x104: {  	v27 =	vld.idx.msk [tilespmem:v27+s14+$0x0], $0xffff  }
0x105: {  	v28 =	vld.idx.msk [tilespmem:v28+s14+$0x0], $0xffff;
	v36 =	vadd.f32 v54, v36;
	v37 =	vadd.f32 v55, v37  }
0x106: {  	v8 =	vld.idx.msk [tilespmem:v2+s13+$0x0], $0xffff  }
0x107: {  	v36 =	vadd.f32 v56, v36;
	v37 =	vadd.f32 v57, v37;
	v56 =	vld.idx.msk [tilespmem:v1+s14+$0x0], $0xffff  }
0x108: {  	v1 =	vld [tilespmem:$0x1FDB0]  }
0x109: {  	v61 =	vld.idx.msk [tilespmem:v62+s13+$0x0], $0xffff;
	v37 =	vadd.f32 v59, v37  }
0x10a: {  	v29 =	vld.idx.msk [tilespmem:v29+s14+$0x0], $0xffff  }
0x10b: {  	v30 =	vld.idx.msk [tilespmem:v30+s14+$0x0], $0xffff;
	v37 =	vadd.f32 v6, v37  }
0x10c: {  	v39 =	vld.idx.msk [tilespmem:v14+s14+$0x0], $0xffff;
	[tilespmem:$0x1FDC0] =	vst v8;
	v36 =	vadd.f32 v58, v36  }
0x10d: {  	v37 =	vadd.f32 v1, v37;
	v1 =	vld [tilespmem:$0x1FDC0]  }
0x10e: {  	[tilespmem:$0x1FDE0] =	vst v61;
	v61 =	vld [tilespmem:$0x1FFF0];
	v36 =	vadd.f32 v5, v36  }
0x10f: {  	v40 =	vld.idx.msk [tilespmem:v15+s14+$0x0], $0xffff  }
0x110: {  	v31 =	vld.idx.msk [tilespmem:v31+s14+$0x0], $0xffff;
	v36 =	vadd.f32 v7, v36  }
0x111: {  	v32 =	vld.idx.msk [tilespmem:v32+s14+$0x0], $0xffff  }
0x112: {  	v9 =	vadd.s32 v9, v11;
	v5 =	vadd.f32 v1, v36;
	v1 =	vld [tilespmem:$0x1FDD0]  }
0x113: {  	v33 =	vld.idx.msk [tilespmem:v33+s14+$0x0], $0xffff;
	v10 =	vadd.s32 v10, v12;
	v9 =	vadd.s32 v13, v9  }
0x114: {  	v34 =	vld.idx.msk [tilespmem:v34+s14+$0x0], $0xffff;
	v10 =	vadd.s32 v39, v10;
	v9 =	vadd.s32 v40, v9  }
0x115: {  	v10 =	vadd.s32 v16, v10;
	v9 =	vadd.s32 v17, v9;
	v55 =	vld.idx.msk [tilespmem:v35+s14+$0x0], $0xffff  }
0x116: {  	v10 =	vadd.s32 v18, v10;
	v9 =	vadd.s32 v19, v9;
	v8 =	vld.idx.msk [tilespmem:v61+s13+$0x0], $0xffff  }
0x117: {  	v10 =	vadd.s32 v20, v10;
	v9 =	vadd.s32 v21, v9;
	v6 =	vadd.f32 v1, v37;
	v1 =	vld [tilespmem:$0x1FDE0]  }
0x118: {  	v10 =	vadd.s32 v22, v10;
	v9 =	vadd.s32 v23, v9;
	v57 =	vld.idx.msk [tilespmem:v2+s14+$0x0], $0xffff  }
0x119: {  	v10 =	vadd.s32 v24, v10;
	v9 =	vadd.s32 v25, v9;
	v58 =	vld.idx.msk [tilespmem:v63+s14+$0x0], $0xffff  }
0x11a: {  	v10 =	vadd.s32 v26, v10;
	v9 =	vadd.s32 v27, v9;
	v59 =	vld.idx.msk [tilespmem:v62+s14+$0x0], $0xffff  }
0x11b: {  	v10 =	vadd.s32 v28, v10;
	v9 =	vadd.s32 v29, v9;
	v62 =	vld.idx.msk [tilespmem:v61+s14+$0x0], $0xffff;
	[tilespmem:$0x1FDF0] =	vst v8  }
0x11c: {  	v10 =	vadd.s32 v30, v10;
	v9 =	vadd.s32 v31, v9;
	v5 =	vadd.f32 v1, v5;
	v1 =	vld [tilespmem:$0x1FDF0]  }
0x11d: {  	v9 =	vadd.s32 v33, v9;
	v7 =	vadd.s32 v32, v10  }
0x11e: {  	v63 =	vadd.s32 v55, v9;
	v7 =	vadd.s32 v34, v7  }
0x11f: {  	v8 =	vadd.s32 v57, v63;
	v7 =	vadd.s32 v56, v7  }
0x120: {  	[tilespmem:$0x18B00] =	vst v5;
	v5 =	vadd.s32 v58, v7;
	v7 =	vadd.s32 v59, v8  }
0x121: {  	v5 =	vadd.s32 v62, v5;
	[tilespmem:$0x18B80] =	vst v7;
	v6 =	vadd.f32 v1, v6  }
0x122: {  	[tilespmem:$0x18B90] =	vst v5  }
0x123: {  	[tilespmem:$0x18B10] =	vst v6  }
0x124: {  	[spmem:s6] =	stream.linear.scatter [tilespmem:s15], [sflag:$0x1], $0x20, $0x38;
	[tilespmem:$0x19040] =	vst v63  }
0x125: {  	_ =	swait.ge [sflag:s11], $0x20  }
0x126: {  	[sflag:s11] =	ssyncset.done $0x0  }
0x127: {  	[sflag:s11] =	ssyncadd.s32 $0xFFFFFFE0  }
0x128: {  	[spmem:s7] =	stream.linear.scatter [tilespmem:s16], [sflag:$0x1], $0x20, $0x38;
	[tilespmem:$0x19040] =	vst v63  }
.Ltmp4:
0x129: {  	_ =	swait.ge [sflag:s11], $0x20;
	(pc) =	sbr.rel @p0 .LBB2_6-.Ltmp4, $3  }
0x12a: {  	[sflag:s11] =	ssyncset.done $0x0  }
0x12b: {  	[sflag:s11] =	ssyncadd.s32 $0xFFFFFFE0  }
0x12c: {  	[bflag:$0x0] =	sbarrier.arrive $0xFFFF;
	_ =	sdelay $0x1  }
0x12d: {  	[tilespmem:s17], [sflag:$0x1] =	stream.linear.gather [spmem:s1], $0x200, $0x38;
	[tilespmem:$0x19040] =	vst v63  }
0x12e: {  	_ =	swait.ge [sflag:s11], $0x200  }
0x12f: {  	[sflag:s11] =	ssyncset.done $0x0  }
0x130: {  	[sflag:s11] =	ssyncadd.s32 $0xFFFFFE00  }
0x131: {  	[tilespmem:s18], [sflag:$0x1] =	stream.linear.gather [spmem:s2], $0x200, $0x38;
	[tilespmem:$0x19040] =	vst v63  }
0x132: {  	_ =	swait.ge [sflag:s11], $0x200  }
0x133: {  	[sflag:s11] =	ssyncset.done $0x0  }
0x134: {  	[sflag:s11] =	ssyncadd.s32 $0xFFFFFE00  }
0x135: {  	v5 =	vld [tilespmem:$0x18C40]  }
0x136: {  	v6 =	vld [tilespmem:$0x18C50]  }
0x137: {  	v7 =	vld [tilespmem:$0x18C60]  }
0x138: {  	v8 =	vld [tilespmem:$0x18C70]  }
0x139: {  	v9 =	vld [tilespmem:$0x18C80]  }
0x13a: {  	v10 =	vld [tilespmem:$0x18C90]  }
0x13b: {  	v11 =	vld [tilespmem:$0x18CA0]  }
0x13c: {  	v12 =	vld [tilespmem:$0x18CB0]  }
0x13d: {  	v36 =	vld [tilespmem:$0x18CC0]  }
0x13e: {  	v37 =	vld [tilespmem:$0x18CD0]  }
0x13f: {  	v38 =	vld [tilespmem:$0x18CE0]  }
0x140: {  	v39 =	vld [tilespmem:$0x18CF0]  }
0x141: {  	v40 =	vld [tilespmem:$0x18D00]  }
0x142: {  	v41 =	vld [tilespmem:$0x18D10]  }
0x143: {  	v42 =	vld [tilespmem:$0x18D20]  }
0x144: {  	v43 =	vld [tilespmem:$0x18D30]  }
0x145: {  	v44 =	vld [tilespmem:$0x18D40]  }
0x146: {  	v45 =	vld [tilespmem:$0x18D50]  }
0x147: {  	v46 =	vld [tilespmem:$0x18D60]  }
0x148: {  	v47 =	vld [tilespmem:$0x18D70]  }
0x149: {  	v48 =	vld [tilespmem:$0x18D80]  }
0x14a: {  	v49 =	vld [tilespmem:$0x18D90]  }
0x14b: {  	v50 =	vld [tilespmem:$0x18DA0]  }
0x14c: {  	v51 =	vld [tilespmem:$0x18DB0]  }
0x14d: {  	v52 =	vld [tilespmem:$0x18DC0]  }
0x14e: {  	v53 =	vld [tilespmem:$0x18DD0]  }
0x14f: {  	v54 =	vld [tilespmem:$0x18DE0]  }
0x150: {  	v55 =	vld [tilespmem:$0x18DF0]  }
0x151: {  	v56 =	vld [tilespmem:$0x18E00]  }
0x152: {  	v57 =	vld [tilespmem:$0x18E10]  }
0x153: {  	v58 =	vld [tilespmem:$0x18E20]  }
0x154: {  	v59 =	vld [tilespmem:$0x18E30]  }
0x155: {  	v14 =	vld [tilespmem:$0x18E40]  }
0x156: {  	v13 =	vld [tilespmem:$0x18E50]  }
0x157: {  	v2 =	vld [tilespmem:$0x18E60];
	v5 =	vadd.f32 $0.0e+00, v5  }
0x158: {  	v1 =	vld [tilespmem:$0x18E70];
	v6 =	vadd.f32 $0.0e+00, v6  }
0x159: {  	v17 =	vld [tilespmem:$0x18E90];
	v5 =	vadd.f32 v7, v5  }
0x15a: {  	v18 =	vld [tilespmem:$0x18EA0];
	v6 =	vadd.f32 v8, v6  }
0x15b: {  	v19 =	vld [tilespmem:$0x18EB0];
	v5 =	vadd.f32 v9, v5  }
0x15c: {  	v20 =	vld [tilespmem:$0x18EC0];
	v6 =	vadd.f32 v10, v6  }
0x15d: {  	v21 =	vld [tilespmem:$0x18ED0];
	v5 =	vadd.f32 v11, v5  }
0x15e: {  	v22 =	vld [tilespmem:$0x18EE0];
	v6 =	vadd.f32 v12, v6  }
0x15f: {  	v23 =	vld [tilespmem:$0x18EF0];
	v5 =	vadd.f32 v36, v5  }
0x160: {  	v24 =	vld [tilespmem:$0x18F00];
	v6 =	vadd.f32 v37, v6  }
0x161: {  	v25 =	vld [tilespmem:$0x18F10];
	v5 =	vadd.f32 v38, v5  }
0x162: {  	v26 =	vld [tilespmem:$0x18F20];
	v6 =	vadd.f32 v39, v6  }
0x163: {  	v27 =	vld [tilespmem:$0x18F30];
	v5 =	vadd.f32 v40, v5  }
0x164: {  	v28 =	vld [tilespmem:$0x18F40];
	v6 =	vadd.f32 v41, v6  }
0x165: {  	v29 =	vld [tilespmem:$0x18F50];
	v5 =	vadd.f32 v42, v5  }
0x166: {  	v7 =	vld [tilespmem:$0x18E80];
	v6 =	vadd.f32 v43, v6  }
0x167: {  	v30 =	vld [tilespmem:$0x18F60];
	v5 =	vadd.f32 v44, v5  }
0x168: {  	v31 =	vld [tilespmem:$0x18F70];
	v6 =	vadd.f32 v45, v6  }
0x169: {  	v32 =	vld [tilespmem:$0x18F80];
	v5 =	vadd.f32 v46, v5  }
0x16a: {  	v35 =	vld [tilespmem:$0x18FA0];
	v33 =	vadd.s32 v14, v2;
	v6 =	vadd.f32 v47, v6  }
0x16b: {  	v61 =	vld [tilespmem:$0x19010];
	v34 =	vadd.s32 v13, v1;
	v7 =	vadd.s32 v7, v33;
	v5 =	vadd.f32 v48, v5  }
0x16c: {  	v2 =	vld [tilespmem:$0x18F90];
	v8 =	vadd.s32 v17, v34;
	v7 =	vadd.s32 v18, v7;
	v6 =	vadd.f32 v49, v6  }
0x16d: {  	v8 =	vadd.s32 v19, v8;
	v7 =	vadd.s32 v20, v7;
	v49 =	vld [tilespmem:$0x18FB0];
	v5 =	vadd.f32 v50, v5  }
0x16e: {  	v8 =	vadd.s32 v21, v8;
	v7 =	vadd.s32 v22, v7;
	v50 =	vld [tilespmem:$0x18FC0];
	v6 =	vadd.f32 v51, v6  }
0x16f: {  	v8 =	vadd.s32 v23, v8;
	v7 =	vadd.s32 v24, v7;
	v51 =	vld [tilespmem:$0x18FD0];
	v5 =	vadd.f32 v52, v5  }
0x170: {  	v8 =	vadd.s32 v25, v8;
	v7 =	vadd.s32 v26, v7;
	v52 =	vld [tilespmem:$0x18FE0];
	v6 =	vadd.f32 v53, v6  }
0x171: {  	v8 =	vadd.s32 v27, v8;
	v7 =	vadd.s32 v28, v7;
	v53 =	vld [tilespmem:$0x18FF0];
	v5 =	vadd.f32 v54, v5  }
0x172: {  	v8 =	vadd.s32 v29, v8;
	v7 =	vadd.s32 v30, v7;
	v54 =	vld [tilespmem:$0x19000];
	v6 =	vadd.f32 v55, v6  }
0x173: {  	v62 =	vld [tilespmem:$0x19020];
	v8 =	vadd.s32 v31, v8;
	v7 =	vadd.s32 v32, v7;
	v5 =	vadd.f32 v56, v5  }
0x174: {  	v63 =	vld [tilespmem:$0x19030];
	v8 =	vadd.s32 v2, v8;
	v7 =	vadd.s32 v35, v7;
	v6 =	vadd.f32 v57, v6  }
0x175: {  	v8 =	vadd.s32 v49, v8;
	v7 =	vadd.s32 v50, v7;
	v5 =	vadd.f32 v58, v5  }
0x176: {  	v8 =	vadd.s32 v51, v8;
	v7 =	vadd.s32 v52, v7;
	v6 =	vadd.f32 v59, v6  }
0x177: {  	v8 =	vadd.s32 v53, v8;
	v7 =	vadd.s32 v54, v7;
	[tilespmem:$0x18B00] =	vst v5  }
0x178: {  	v5 =	vadd.s32 v61, v8;
	v7 =	vadd.s32 v62, v7;
	[tilespmem:$0x18B10] =	vst v6  }
0x179: {  	v5 =	vadd.s32 v63, v5;
	[tilespmem:$0x18B80] =	vst v7  }
0x17a: {  	[tilespmem:$0x18B90] =	vst v5  }
0x17b: {  	[hbm4b:s8+s3] =	stream.linear.scatter [tilespmem:s15], [sflag:$0x1], $0x80, $0x38;
	[tilespmem:$0x19040] =	vst v63  }
0x17c: {  	_ =	swait.ge [sflag:s11], $0x80  }
0x17d: {  	[sflag:s11] =	ssyncset.done $0x0  }
.Ltmp5:
0x17e: {  	[sflag:s11] =	ssyncadd.s32 $0xFFFFFF80;
	(pc) =	sbr.rel .LBB2_6-.Ltmp5, $4  }
0x17f: {  	[hbm4b:s9+s3] =	stream.linear.scatter [tilespmem:s16], [sflag:$0x1], $0x80, $0x38;
	[tilespmem:$0x19040] =	vst v63  }
0x180: {  	_ =	swait.ge [sflag:s11], $0x80  }
0x181: {  	[sflag:s11] =	ssyncset.done $0x0  }
0x182: {  	[sflag:s11] =	ssyncadd.s32 $0xFFFFFF80  }
.LBB2_7:
0x183: {  	_ =	sfence.sel $0x180000  }
0x184: {  	[bflag:$0x0] =	sbarrier.arrive $0xFFFF  }
0x185: {  	_ =	strace $0x90000047  }
0x186: {  	s0 =	sadd.s32 @!p0 $0x100000, s0;
	[bflag:$0x2] =	sbarrier.arrive $0xFFFF  }
0x187: {  	[sflag:s0] =	ssyncadd.tile.s32 @!p0 $0x1;
	_ =	shalt  }
.Lfunc_end2:
_tile_overlayer_lowered:
.L_overlay_start_2:
0x188: {  	(tag) =	ssettag $0x2  }
0x189: {  	s0 =	rddreg [dreg:$0x0];
	s2 =	stileid.u32  }
0x18a: {  	s1 =	rddreg [dreg:$0x1];
	p0 =	sne.s32 s2, $0x0  }
0x18b: {  	s3 =	rddreg [dreg:$0x2];
	[bflag:$0x3] =	sbarrier.arrive $0xFFFF;
	s2 =	simm.s32 @!p0 $0x1C01  }
0x18c: {  	[timem:s3], [sflag:s2] =	dma.local @!p0 [hbm:s0], s1  }
0x18d: {  	s0 =	simm.s32 @!p0 $0x1  }
0x18e: {  	_ =	swait.ge @!p0 [sflag:s0], s1  }
0x18f: {  	s1 =	ssub.s32 @!p0 $0x0, s1;
	[sflag:s0] =	ssyncset.done @!p0 $0x0  }
0x190: {  	[sflag:s0] =	ssyncadd.s32 @!p0 s1  }
0x191: {  	[bflag:$0x3] =	sbarrier.arrive $0xFFFF  }
0x192: {  	_ =	shalt  }

</sc_bundles>
